<compile_context>
chip_gen: v7x
topology: tpu7x:2x2x1
jax: 0.10.2.dev20260603
libtpu: 0.0.44.dev20260713+nightly
codegen_flags: <defaults>
</compile_context>

<pallas_src>
import functools
import math

import jax
import jax.numpy as jnp
from jax import lax
from jax.experimental import pallas as pl
from jax.experimental.pallas import tpu as pltpu
from jax.experimental.pallas import tpu_sc as plsc

D_MODEL = 1024
HEAD_DIM = 64
HALF = HEAD_DIM // 2
ROPE_THETA = 10000.0
NEG_INF = float(jnp.finfo(jnp.float32).min)

_NC = 2
_NS = 16
_NW = _NC * _NS

_CH = 32


def _sc_gather(idx2d, table, total_rows):
    rows_per_w = total_rows // _NW
    n_ch = rows_per_w // _CH
    mesh = plsc.VectorSubcoreMesh(core_axis_name="c", subcore_axis_name="s")

    @functools.partial(
        pl.kernel,
        mesh=mesh,
        out_type=jax.ShapeDtypeStruct((total_rows, D_MODEL), jnp.float32),
        scratch_types=[
            pltpu.VMEM((n_ch, _CH), jnp.int32),
            pltpu.VMEM((_CH, D_MODEL), jnp.float32),
            pltpu.VMEM((_CH, D_MODEL), jnp.float32),
            pltpu.VMEM((_CH, D_MODEL), jnp.float32),
            pltpu.SemaphoreType.DMA,
            pltpu.SemaphoreType.DMA,
            pltpu.SemaphoreType.DMA,
            pltpu.SemaphoreType.DMA,
            pltpu.SemaphoreType.DMA,
            pltpu.SemaphoreType.DMA,
        ],
    )
    def gk(idx_hbm, table_hbm, out_hbm, idx_v, buf0, buf1, buf2,
           gsem0, gsem1, gsem2, osem0, osem1, osem2):
        wid = lax.axis_index("s") * _NC + lax.axis_index("c")
        base = wid * rows_per_w
        pltpu.sync_copy(idx_hbm.at[pl.ds(wid * n_ch, n_ch)], idx_v)
        bufs = (buf0, buf1, buf2)
        gsems = (gsem0, gsem1, gsem2)
        osems = (osem0, osem1, osem2)
        depth = 3
        gcps = [None] * depth
        ocps = [None] * depth
        for c in range(min(depth - 1, n_ch)):
            gcps[c] = pltpu.async_copy(
                table_hbm.at[idx_v.at[c]], bufs[c], gsems[c])
        for c in range(n_ch):
            nxt = c + depth - 1
            if nxt < n_ch:
                p = nxt % depth
                if ocps[p] is not None:
                    ocps[p].wait()
                gcps[p] = pltpu.async_copy(
                    table_hbm.at[idx_v.at[nxt]], bufs[p], gsems[p])
            s = c % depth
            gcps[s].wait()
            ocps[s] = pltpu.async_copy(
                bufs[s], out_hbm.at[pl.ds(base + c * _CH, _CH)], osems[s])
        for p in range(depth):
            if ocps[p] is not None:
                ocps[p].wait()

    return gk(idx2d, table)


def _mask_rope(am3, b, s):
    blk = 1024
    n_blk = s // blk

    def body(am_ref, mask_ref, cost_ref, sint_ref, causal_ref):
        i = pl.program_id(0)
        bb = pl.program_id(1)

        @pl.when(bb == 0)
        def _causal():
            rows = lax.broadcasted_iota(jnp.int32, (blk, s), 0) + i * blk
            cols = lax.broadcasted_iota(jnp.int32, (blk, s), 1)
            causal_ref[...] = jnp.where(cols > rows, NEG_INF, 0.0)

        padrow = jnp.where(am_ref[0, :, :] == 0, NEG_INF, 0.0)
        mask_ref[0, 0] = jnp.minimum(causal_ref[...], padrow)

        first = (i == 0) & (bb == 0)

        @pl.when(first)
        def _rope():
            h = lax.broadcasted_iota(jnp.int32, (HEAD_DIM, s), 0)
            p = lax.broadcasted_iota(jnp.int32, (HEAD_DIM, s), 1)
            hmod = jnp.bitwise_and(h, HALF - 1).astype(jnp.float32)
            inv_freq = jnp.exp(hmod * (-math.log(ROPE_THETA) / HALF))
            embt = inv_freq * p.astype(jnp.float32)
            cost_ref[0] = jnp.cos(embt)
            sint_ref[0] = jnp.sin(embt)

    mask4d, cost, sint = pl.pallas_call(
        body,
        grid=(n_blk, b),
        in_specs=[pl.BlockSpec((1, 1, s), lambda i, bb: (bb, 0, 0))],
        out_specs=[
            pl.BlockSpec((1, 1, blk, s), lambda i, bb: (bb, 0, i, 0)),
            pl.BlockSpec((1, HEAD_DIM, s), lambda i, bb: (0, 0, 0)),
            pl.BlockSpec((1, HEAD_DIM, s), lambda i, bb: (0, 0, 0)),
        ],
        out_shape=[
            jax.ShapeDtypeStruct((b, 1, s, s), jnp.float32),
            jax.ShapeDtypeStruct((1, HEAD_DIM, s), jnp.float32),
            jax.ShapeDtypeStruct((1, HEAD_DIM, s), jnp.float32),
        ],
        scratch_shapes=[pltpu.VMEM((blk, s), jnp.float32)],
        compiler_params=pltpu.CompilerParams(
            dimension_semantics=("arbitrary", "arbitrary"),
        ),
    )(am3)
    cos = jnp.transpose(cost, (0, 2, 1))
    sin = jnp.transpose(sint, (0, 2, 1))
    return mask4d, cos, sin


def kernel(input_ids, attention_mask, labels, embed_table):
    b, s = input_ids.shape
    idx2d = input_ids.reshape(-1, _CH)
    am3 = attention_mask.reshape(b, 1, s)
    mask4d, cos, sin = _mask_rope(am3, b, s)
    hidden = _sc_gather(idx2d, embed_table, b * s).reshape(b, s, D_MODEL)
    position_ids_out = jnp.zeros((0,), jnp.float32)
    return (hidden, mask4d, position_ids_out, cos, sin, labels)

# --- scband reference (transcript-rebuilt; emitter-appended) ---
"""Pipeline reference for scband-input-layer-60516089200839 (READ-ONLY COPY).

The authoritative reference and input builder live on the scoring server;
editing this copy changes nothing except your own understanding.
"""

import jax, jax.numpy as jnp
import numpy as np

VOCAB = 100000
D_MODEL = 1024
N_HEADS = 16
HEAD_DIM = D_MODEL // N_HEADS
ROPE_THETA = 10000.0
B = 4
S = 2048


def setup_inputs(seed: int = 0) -> dict:
    key = jax.random.key(seed)
    k1, k2, k3 = jax.random.split(key, 3)
    input_ids = jax.random.randint(k1, (B, S), 0, VOCAB, dtype=jnp.int32)
    attention_mask = jnp.ones((B, S), dtype=jnp.int32)
    labels = jax.random.randint(k2, (B, S), 0, VOCAB, dtype=jnp.int32)
    embed_table = jax.random.normal(k3, (VOCAB, D_MODEL), dtype=jnp.float32) * 0.02
    return {
        "input_ids": input_ids,
        "attention_mask": attention_mask,
        "labels": labels,
        "embed_table": embed_table,
    }


def reference(input_ids, attention_mask, labels, embed_table):
    b, s = input_ids.shape
    # embedding lookup (embed_tokens)
    inputs_embeds = jnp.take(embed_table, input_ids, axis=0)
    # no cache (training mode): past_seen_tokens = 0
    cache_position = jnp.arange(s, dtype=jnp.int32)
    position_ids = cache_position[None, :]
    # _update_causal_mask: 4D additive causal mask combined with padding mask
    min_val = jnp.finfo(jnp.float32).min
    row = jnp.arange(s)[:, None]
    col = jnp.arange(s)[None, :]
    causal = jnp.where(col > row, min_val, 0.0).astype(jnp.float32)  # [S, S]
    causal4d = jnp.broadcast_to(causal[None, None, :, :], (b, 1, s, s))
    pad = (attention_mask[:, None, None, :] == 0)
    attn_mask_4d = jnp.where(pad, min_val, causal4d)
    hidden_states = inputs_embeds
    # llama rotary embedding: cos/sin of shape [B, S, HEAD_DIM]
    inv_freq = 1.0 / (ROPE_THETA ** (jnp.arange(0, HEAD_DIM, 2, dtype=jnp.float32) / HEAD_DIM))
    freqs = position_ids.astype(jnp.float32)[:, :, None] * inv_freq[None, None, :]  # [B, S, HEAD_DIM//2]
    emb = jnp.concatenate([freqs, freqs], axis=-1)  # [B, S, HEAD_DIM]
    cos = jnp.cos(emb)
    sin = jnp.sin(emb)
    # llama path sets position_ids to empty tensor
    position_ids_out = jnp.array([], dtype=jnp.float32)
    return (hidden_states, attn_mask_4d, position_ids_out, cos, sin, labels)

if __name__ == "__main__":
    import jax
    _d = setup_inputs()
    print(jax.jit(kernel)(*tuple(_d.values())))

</pallas_src>

<mosaic_0001>
#map = affine_map<(d0, d1) -> (0, 0)>
module attributes {stable_mosaic.version = 14 : i64} {
  func.func @gk(%arg0: i32, %arg1: i32, %arg2: memref<256x32xi32, #tpu.memory_space<hbm>>, %arg3: memref<100000x1024xf32, #tpu.memory_space<hbm>>, %arg4: memref<8192x1024xf32, #tpu.memory_space<hbm>>, %arg5: memref<8x32xi32, #tpu.memory_space<vmem>>, %arg6: memref<32x1024xf32, #tpu.memory_space<vmem>>, %arg7: memref<32x1024xf32, #tpu.memory_space<vmem>>, %arg8: memref<32x1024xf32, #tpu.memory_space<vmem>>, %arg9: memref<!tpu.dma_semaphore, #tpu.memory_space<semaphore_mem>>, %arg10: memref<!tpu.dma_semaphore, #tpu.memory_space<semaphore_mem>>, %arg11: memref<!tpu.dma_semaphore, #tpu.memory_space<semaphore_mem>>, %arg12: memref<!tpu.dma_semaphore, #tpu.memory_space<semaphore_mem>>, %arg13: memref<!tpu.dma_semaphore, #tpu.memory_space<semaphore_mem>>, %arg14: memref<!tpu.dma_semaphore, #tpu.memory_space<semaphore_mem>>) attributes {dimension_semantics = [#tpu.dimension_semantics<core_parallel>, #tpu.dimension_semantics<subcore_parallel>], iteration_bounds = array<i64: 2, 16>, scalar_prefetch = 0 : i64, scratch_operands = 10 : i64, tpu.core_type = #tpu.core_type<sc_vector_subcore>, window_params = [{transform_indices = #map}, {transform_indices = #map}, {transform_indices = #map}]} {
    %mul3A = arith.constant 2 : i32
    %mul3A_0 = arith.muli %arg1, %mul3A : i32
    %add3A = arith.addi %mul3A_0, %arg0 : i32
    %mul3A_1 = arith.constant 256 : i32
    %mul3A_2 = arith.muli %add3A, %mul3A_1 : i32
    %mul3A_3 = arith.constant 8 : i32
    %mul3A_4 = arith.muli %add3A, %mul3A_3 : i32
    "tpu.region"() ({
      %run_scoped3A = tpu.sem_alloc : memref<!tpu.dma_semaphore, #tpu.memory_space<semaphore_mem>>
      %dma_start3A_195 = arith.constant 0 : i32
      %dma_start3A_196 = tpu.memref_slice %arg2[%mul3A_4, %dma_start3A_195] : memref<256x32xi32, #tpu.memory_space<hbm>> -> memref<8x32xi32, #tpu.memory_space<hbm>>
      %dma_start3A_197 = arith.constant 0 : i32
      %dma_start3A_198 = tpu.memref_slice %arg2[%mul3A_4, %dma_start3A_197] : memref<256x32xi32, #tpu.memory_space<hbm>> -> memref<8x32xi32, #tpu.memory_space<hbm>>
      tpu.enqueue_dma source(%dma_start3A_198 : memref<8x32xi32, #tpu.memory_space<hbm>>) target(%arg5 : memref<8x32xi32, #tpu.memory_space<vmem>>) target_semaphore(%run_scoped3A : memref<!tpu.dma_semaphore, #tpu.memory_space<semaphore_mem>>)
      %dma_wait3A_199 = arith.constant 0 : i32
      %dma_wait3A_200 = tpu.memref_slice %arg2[%mul3A_4, %dma_wait3A_199] : memref<256x32xi32, #tpu.memory_space<hbm>> -> memref<8x32xi32, #tpu.memory_space<hbm>>
      %dma_wait3A_201 = arith.constant 0 : i32
      %dma_wait3A_202 = tpu.memref_slice %arg2[%mul3A_4, %dma_wait3A_201] : memref<256x32xi32, #tpu.memory_space<hbm>> -> memref<8x32xi32, #tpu.memory_space<hbm>>
      tpu.wait_dma2 semaphore(%run_scoped3A : memref<!tpu.dma_semaphore, #tpu.memory_space<semaphore_mem>>) src(%dma_wait3A_202 : memref<8x32xi32, #tpu.memory_space<hbm>>) dst(%arg5 : memref<8x32xi32, #tpu.memory_space<vmem>>)
      tpu.yield
    }) : () -> ()
    %dma_start3A = arith.constant 0 : i32
    %dma_start3A_5 = arith.constant 0 : i32
    %dma_start3A_6 = tpu.memref_slice %arg5[%dma_start3A, %dma_start3A_5] : memref<8x32xi32, #tpu.memory_space<vmem>> -> memref<1x32xi32, #tpu.memory_space<vmem>>
    %dma_start3A_7 = tpu.memref_squeeze %dma_start3A_6 : memref<1x32xi32, #tpu.memory_space<vmem>> -> memref<32xi32, #tpu.memory_space<vmem>>
    %dma_start3A_8 = arith.constant 0 : i32
    %dma_start3A_9 = arith.constant 0 : i32
    %dma_start3A_10 = tpu.memref_slice %arg3[%dma_start3A_8, %dma_start3A_9] : memref<100000x1024xf32, #tpu.memory_space<hbm>> -> memref<100000x1024xf32, #tpu.memory_space<hbm>>
    tpu.enqueue_indirect_dma source(%dma_start3A_10 : memref<100000x1024xf32, #tpu.memory_space<hbm>>) target(%arg6 : memref<32x1024xf32, #tpu.memory_space<vmem>>) offsets(%dma_start3A_7 : memref<32xi32, #tpu.memory_space<vmem>>) semaphore(%arg9 : memref<!tpu.dma_semaphore, #tpu.memory_space<semaphore_mem>>)
    %dma_start3A_11 = arith.constant 1 : i32
    %dma_start3A_12 = arith.constant 0 : i32
    %dma_start3A_13 = tpu.memref_slice %arg5[%dma_start3A_11, %dma_start3A_12] : memref<8x32xi32, #tpu.memory_space<vmem>> -> memref<1x32xi32, #tpu.memory_space<vmem>>
    %dma_start3A_14 = tpu.memref_squeeze %dma_start3A_13 : memref<1x32xi32, #tpu.memory_space<vmem>> -> memref<32xi32, #tpu.memory_space<vmem>>
    %dma_start3A_15 = arith.constant 0 : i32
    %dma_start3A_16 = arith.constant 0 : i32
    %dma_start3A_17 = tpu.memref_slice %arg3[%dma_start3A_15, %dma_start3A_16] : memref<100000x1024xf32, #tpu.memory_space<hbm>> -> memref<100000x1024xf32, #tpu.memory_space<hbm>>
    tpu.enqueue_indirect_dma source(%dma_start3A_17 : memref<100000x1024xf32, #tpu.memory_space<hbm>>) target(%arg7 : memref<32x1024xf32, #tpu.memory_space<vmem>>) offsets(%dma_start3A_14 : memref<32xi32, #tpu.memory_space<vmem>>) semaphore(%arg10 : memref<!tpu.dma_semaphore, #tpu.memory_space<semaphore_mem>>)
    %dma_start3A_18 = arith.constant 2 : i32
    %dma_start3A_19 = arith.constant 0 : i32
    %dma_start3A_20 = tpu.memref_slice %arg5[%dma_start3A_18, %dma_start3A_19] : memref<8x32xi32, #tpu.memory_space<vmem>> -> memref<1x32xi32, #tpu.memory_space<vmem>>
    %dma_start3A_21 = tpu.memref_squeeze %dma_start3A_20 : memref<1x32xi32, #tpu.memory_space<vmem>> -> memref<32xi32, #tpu.memory_space<vmem>>
    %dma_start3A_22 = arith.constant 0 : i32
    %dma_start3A_23 = arith.constant 0 : i32
    %dma_start3A_24 = tpu.memref_slice %arg3[%dma_start3A_22, %dma_start3A_23] : memref<100000x1024xf32, #tpu.memory_space<hbm>> -> memref<100000x1024xf32, #tpu.memory_space<hbm>>
    tpu.enqueue_indirect_dma source(%dma_start3A_24 : memref<100000x1024xf32, #tpu.memory_space<hbm>>) target(%arg8 : memref<32x1024xf32, #tpu.memory_space<vmem>>) offsets(%dma_start3A_21 : memref<32xi32, #tpu.memory_space<vmem>>) semaphore(%arg11 : memref<!tpu.dma_semaphore, #tpu.memory_space<semaphore_mem>>)
    %dma_wait3A = arith.constant 0 : i32
    %dma_wait3A_25 = arith.constant 0 : i32
    %dma_wait3A_26 = tpu.memref_slice %arg5[%dma_wait3A, %dma_wait3A_25] : memref<8x32xi32, #tpu.memory_space<vmem>> -> memref<1x32xi32, #tpu.memory_space<vmem>>
    %dma_wait3A_27 = tpu.memref_squeeze %dma_wait3A_26 : memref<1x32xi32, #tpu.memory_space<vmem>> -> memref<32xi32, #tpu.memory_space<vmem>>
    %dma_wait3A_28 = arith.constant 0 : i32
    %dma_wait3A_29 = arith.constant 0 : i32
    %dma_wait3A_30 = tpu.memref_slice %arg3[%dma_wait3A_28, %dma_wait3A_29] : memref<100000x1024xf32, #tpu.memory_space<hbm>> -> memref<100000x1024xf32, #tpu.memory_space<hbm>>
    tpu.wait_indirect_dma semaphore(%arg9 : memref<!tpu.dma_semaphore, #tpu.memory_space<semaphore_mem>>) src(%dma_wait3A_30 : memref<100000x1024xf32, #tpu.memory_space<hbm>>) dst(%arg6 : memref<32x1024xf32, #tpu.memory_space<vmem>>)
    %add3A_31 = arith.constant 0 : i32
    %add3A_32 = arith.addi %mul3A_2, %add3A_31 : i32
    %dma_start3A_33 = arith.constant 0 : i32
    %dma_start3A_34 = tpu.memref_slice %arg4[%add3A_32, %dma_start3A_33] : memref<8192x1024xf32, #tpu.memory_space<hbm>> -> memref<32x1024xf32, #tpu.memory_space<hbm>>
    %dma_start3A_35 = arith.constant 0 : i32
    %dma_start3A_36 = tpu.memref_slice %arg4[%add3A_32, %dma_start3A_35] : memref<8192x1024xf32, #tpu.memory_space<hbm>> -> memref<32x1024xf32, #tpu.memory_space<hbm>>
    tpu.enqueue_dma source(%arg6 : memref<32x1024xf32, #tpu.memory_space<vmem>>) target(%dma_start3A_36 : memref<32x1024xf32, #tpu.memory_space<hbm>>) target_semaphore(%arg12 : memref<!tpu.dma_semaphore, #tpu.memory_space<semaphore_mem>>)
    %dma_wait3A_37 = arith.constant 0 : i32
    %dma_wait3A_38 = tpu.memref_slice %arg4[%add3A_32, %dma_wait3A_37] : memref<8192x1024xf32, #tpu.memory_space<hbm>> -> memref<32x1024xf32, #tpu.memory_space<hbm>>
    %dma_wait3A_39 = arith.constant 0 : i32
    %dma_wait3A_40 = tpu.memref_slice %arg4[%add3A_32, %dma_wait3A_39] : memref<8192x1024xf32, #tpu.memory_space<hbm>> -> memref<32x1024xf32, #tpu.memory_space<hbm>>
    tpu.wait_dma2 semaphore(%arg12 : memref<!tpu.dma_semaphore, #tpu.memory_space<semaphore_mem>>) src(%arg6 : memref<32x1024xf32, #tpu.memory_space<vmem>>) dst(%dma_wait3A_40 : memref<32x1024xf32, #tpu.memory_space<hbm>>)
    %dma_start3A_41 = arith.constant 3 : i32
    %dma_start3A_42 = arith.constant 0 : i32
    %dma_start3A_43 = tpu.memref_slice %arg5[%dma_start3A_41, %dma_start3A_42] : memref<8x32xi32, #tpu.memory_space<vmem>> -> memref<1x32xi32, #tpu.memory_space<vmem>>
    %dma_start3A_44 = tpu.memref_squeeze %dma_start3A_43 : memref<1x32xi32, #tpu.memory_space<vmem>> -> memref<32xi32, #tpu.memory_space<vmem>>
    %dma_start3A_45 = arith.constant 0 : i32
    %dma_start3A_46 = arith.constant 0 : i32
    %dma_start3A_47 = tpu.memref_slice %arg3[%dma_start3A_45, %dma_start3A_46] : memref<100000x1024xf32, #tpu.memory_space<hbm>> -> memref<100000x1024xf32, #tpu.memory_space<hbm>>
    tpu.enqueue_indirect_dma source(%dma_start3A_47 : memref<100000x1024xf32, #tpu.memory_space<hbm>>) target(%arg6 : memref<32x1024xf32, #tpu.memory_space<vmem>>) offsets(%dma_start3A_44 : memref<32xi32, #tpu.memory_space<vmem>>) semaphore(%arg9 : memref<!tpu.dma_semaphore, #tpu.memory_space<semaphore_mem>>)
    %dma_wait3A_48 = arith.constant 1 : i32
    %dma_wait3A_49 = arith.constant 0 : i32
    %dma_wait3A_50 = tpu.memref_slice %arg5[%dma_wait3A_48, %dma_wait3A_49] : memref<8x32xi32, #tpu.memory_space<vmem>> -> memref<1x32xi32, #tpu.memory_space<vmem>>
    %dma_wait3A_51 = tpu.memref_squeeze %dma_wait3A_50 : memref<1x32xi32, #tpu.memory_space<vmem>> -> memref<32xi32, #tpu.memory_space<vmem>>
    %dma_wait3A_52 = arith.constant 0 : i32
    %dma_wait3A_53 = arith.constant 0 : i32
    %dma_wait3A_54 = tpu.memref_slice %arg3[%dma_wait3A_52, %dma_wait3A_53] : memref<100000x1024xf32, #tpu.memory_space<hbm>> -> memref<100000x1024xf32, #tpu.memory_space<hbm>>
    tpu.wait_indirect_dma semaphore(%arg10 : memref<!tpu.dma_semaphore, #tpu.memory_space<semaphore_mem>>) src(%dma_wait3A_54 : memref<100000x1024xf32, #tpu.memory_space<hbm>>) dst(%arg7 : memref<32x1024xf32, #tpu.memory_space<vmem>>)
    %add3A_55 = arith.constant 32 : i32
    %add3A_56 = arith.addi %mul3A_2, %add3A_55 : i32
    %dma_start3A_57 = arith.constant 0 : i32
    %dma_start3A_58 = tpu.memref_slice %arg4[%add3A_56, %dma_start3A_57] : memref<8192x1024xf32, #tpu.memory_space<hbm>> -> memref<32x1024xf32, #tpu.memory_space<hbm>>
    %dma_start3A_59 = arith.constant 0 : i32
    %dma_start3A_60 = tpu.memref_slice %arg4[%add3A_56, %dma_start3A_59] : memref<8192x1024xf32, #tpu.memory_space<hbm>> -> memref<32x1024xf32, #tpu.memory_space<hbm>>
    tpu.enqueue_dma source(%arg7 : memref<32x1024xf32, #tpu.memory_space<vmem>>) target(%dma_start3A_60 : memref<32x1024xf32, #tpu.memory_space<hbm>>) target_semaphore(%arg13 : memref<!tpu.dma_semaphore, #tpu.memory_space<semaphore_mem>>)
    %dma_wait3A_61 = arith.constant 0 : i32
    %dma_wait3A_62 = tpu.memref_slice %arg4[%add3A_56, %dma_wait3A_61] : memref<8192x1024xf32, #tpu.memory_space<hbm>> -> memref<32x1024xf32, #tpu.memory_space<hbm>>
    %dma_wait3A_63 = arith.constant 0 : i32
    %dma_wait3A_64 = tpu.memref_slice %arg4[%add3A_56, %dma_wait3A_63] : memref<8192x1024xf32, #tpu.memory_space<hbm>> -> memref<32x1024xf32, #tpu.memory_space<hbm>>
    tpu.wait_dma2 semaphore(%arg13 : memref<!tpu.dma_semaphore, #tpu.memory_space<semaphore_mem>>) src(%arg7 : memref<32x1024xf32, #tpu.memory_space<vmem>>) dst(%dma_wait3A_64 : memref<32x1024xf32, #tpu.memory_space<hbm>>)
    %dma_start3A_65 = arith.constant 4 : i32
    %dma_start3A_66 = arith.constant 0 : i32
    %dma_start3A_67 = tpu.memref_slice %arg5[%dma_start3A_65, %dma_start3A_66] : memref<8x32xi32, #tpu.memory_space<vmem>> -> memref<1x32xi32, #tpu.memory_space<vmem>>
    %dma_start3A_68 = tpu.memref_squeeze %dma_start3A_67 : memref<1x32xi32, #tpu.memory_space<vmem>> -> memref<32xi32, #tpu.memory_space<vmem>>
    %dma_start3A_69 = arith.constant 0 : i32
    %dma_start3A_70 = arith.constant 0 : i32
    %dma_start3A_71 = tpu.memref_slice %arg3[%dma_start3A_69, %dma_start3A_70] : memref<100000x1024xf32, #tpu.memory_space<hbm>> -> memref<100000x1024xf32, #tpu.memory_space<hbm>>
    tpu.enqueue_indirect_dma source(%dma_start3A_71 : memref<100000x1024xf32, #tpu.memory_space<hbm>>) target(%arg7 : memref<32x1024xf32, #tpu.memory_space<vmem>>) offsets(%dma_start3A_68 : memref<32xi32, #tpu.memory_space<vmem>>) semaphore(%arg10 : memref<!tpu.dma_semaphore, #tpu.memory_space<semaphore_mem>>)
    %dma_wait3A_72 = arith.constant 2 : i32
    %dma_wait3A_73 = arith.constant 0 : i32
    %dma_wait3A_74 = tpu.memref_slice %arg5[%dma_wait3A_72, %dma_wait3A_73] : memref<8x32xi32, #tpu.memory_space<vmem>> -> memref<1x32xi32, #tpu.memory_space<vmem>>
    %dma_wait3A_75 = tpu.memref_squeeze %dma_wait3A_74 : memref<1x32xi32, #tpu.memory_space<vmem>> -> memref<32xi32, #tpu.memory_space<vmem>>
    %dma_wait3A_76 = arith.constant 0 : i32
    %dma_wait3A_77 = arith.constant 0 : i32
    %dma_wait3A_78 = tpu.memref_slice %arg3[%dma_wait3A_76, %dma_wait3A_77] : memref<100000x1024xf32, #tpu.memory_space<hbm>> -> memref<100000x1024xf32, #tpu.memory_space<hbm>>
    tpu.wait_indirect_dma semaphore(%arg11 : memref<!tpu.dma_semaphore, #tpu.memory_space<semaphore_mem>>) src(%dma_wait3A_78 : memref<100000x1024xf32, #tpu.memory_space<hbm>>) dst(%arg8 : memref<32x1024xf32, #tpu.memory_space<vmem>>)
    %add3A_79 = arith.constant 64 : i32
    %add3A_80 = arith.addi %mul3A_2, %add3A_79 : i32
    %dma_start3A_81 = arith.constant 0 : i32
    %dma_start3A_82 = tpu.memref_slice %arg4[%add3A_80, %dma_start3A_81] : memref<8192x1024xf32, #tpu.memory_space<hbm>> -> memref<32x1024xf32, #tpu.memory_space<hbm>>
    %dma_start3A_83 = arith.constant 0 : i32
    %dma_start3A_84 = tpu.memref_slice %arg4[%add3A_80, %dma_start3A_83] : memref<8192x1024xf32, #tpu.memory_space<hbm>> -> memref<32x1024xf32, #tpu.memory_space<hbm>>
    tpu.enqueue_dma source(%arg8 : memref<32x1024xf32, #tpu.memory_space<vmem>>) target(%dma_start3A_84 : memref<32x1024xf32, #tpu.memory_space<hbm>>) target_semaphore(%arg14 : memref<!tpu.dma_semaphore, #tpu.memory_space<semaphore_mem>>)
    %dma_wait3A_85 = arith.constant 0 : i32
    %dma_wait3A_86 = tpu.memref_slice %arg4[%add3A_80, %dma_wait3A_85] : memref<8192x1024xf32, #tpu.memory_space<hbm>> -> memref<32x1024xf32, #tpu.memory_space<hbm>>
    %dma_wait3A_87 = arith.constant 0 : i32
    %dma_wait3A_88 = tpu.memref_slice %arg4[%add3A_80, %dma_wait3A_87] : memref<8192x1024xf32, #tpu.memory_space<hbm>> -> memref<32x1024xf32, #tpu.memory_space<hbm>>
    tpu.wait_dma2 semaphore(%arg14 : memref<!tpu.dma_semaphore, #tpu.memory_space<semaphore_mem>>) src(%arg8 : memref<32x1024xf32, #tpu.memory_space<vmem>>) dst(%dma_wait3A_88 : memref<32x1024xf32, #tpu.memory_space<hbm>>)
    %dma_start3A_89 = arith.constant 5 : i32
    %dma_start3A_90 = arith.constant 0 : i32
    %dma_start3A_91 = tpu.memref_slice %arg5[%dma_start3A_89, %dma_start3A_90] : memref<8x32xi32, #tpu.memory_space<vmem>> -> memref<1x32xi32, #tpu.memory_space<vmem>>
    %dma_start3A_92 = tpu.memref_squeeze %dma_start3A_91 : memref<1x32xi32, #tpu.memory_space<vmem>> -> memref<32xi32, #tpu.memory_space<vmem>>
    %dma_start3A_93 = arith.constant 0 : i32
    %dma_start3A_94 = arith.constant 0 : i32
    %dma_start3A_95 = tpu.memref_slice %arg3[%dma_start3A_93, %dma_start3A_94] : memref<100000x1024xf32, #tpu.memory_space<hbm>> -> memref<100000x1024xf32, #tpu.memory_space<hbm>>
    tpu.enqueue_indirect_dma source(%dma_start3A_95 : memref<100000x1024xf32, #tpu.memory_space<hbm>>) target(%arg8 : memref<32x1024xf32, #tpu.memory_space<vmem>>) offsets(%dma_start3A_92 : memref<32xi32, #tpu.memory_space<vmem>>) semaphore(%arg11 : memref<!tpu.dma_semaphore, #tpu.memory_space<semaphore_mem>>)
    %dma_wait3A_96 = arith.constant 3 : i32
    %dma_wait3A_97 = arith.constant 0 : i32
    %dma_wait3A_98 = tpu.memref_slice %arg5[%dma_wait3A_96, %dma_wait3A_97] : memref<8x32xi32, #tpu.memory_space<vmem>> -> memref<1x32xi32, #tpu.memory_space<vmem>>
    %dma_wait3A_99 = tpu.memref_squeeze %dma_wait3A_98 : memref<1x32xi32, #tpu.memory_space<vmem>> -> memref<32xi32, #tpu.memory_space<vmem>>
    %dma_wait3A_100 = arith.constant 0 : i32
    %dma_wait3A_101 = arith.constant 0 : i32
    %dma_wait3A_102 = tpu.memref_slice %arg3[%dma_wait3A_100, %dma_wait3A_101] : memref<100000x1024xf32, #tpu.memory_space<hbm>> -> memref<100000x1024xf32, #tpu.memory_space<hbm>>
    tpu.wait_indirect_dma semaphore(%arg9 : memref<!tpu.dma_semaphore, #tpu.memory_space<semaphore_mem>>) src(%dma_wait3A_102 : memref<100000x1024xf32, #tpu.memory_space<hbm>>) dst(%arg6 : memref<32x1024xf32, #tpu.memory_space<vmem>>)
    %add3A_103 = arith.constant 96 : i32
    %add3A_104 = arith.addi %mul3A_2, %add3A_103 : i32
    %dma_start3A_105 = arith.constant 0 : i32
    %dma_start3A_106 = tpu.memref_slice %arg4[%add3A_104, %dma_start3A_105] : memref<8192x1024xf32, #tpu.memory_space<hbm>> -> memref<32x1024xf32, #tpu.memory_space<hbm>>
    %dma_start3A_107 = arith.constant 0 : i32
    %dma_start3A_108 = tpu.memref_slice %arg4[%add3A_104, %dma_start3A_107] : memref<8192x1024xf32, #tpu.memory_space<hbm>> -> memref<32x1024xf32, #tpu.memory_space<hbm>>
    tpu.enqueue_dma source(%arg6 : memref<32x1024xf32, #tpu.memory_space<vmem>>) target(%dma_start3A_108 : memref<32x1024xf32, #tpu.memory_space<hbm>>) target_semaphore(%arg12 : memref<!tpu.dma_semaphore, #tpu.memory_space<semaphore_mem>>)
    %dma_wait3A_109 = arith.constant 0 : i32
    %dma_wait3A_110 = tpu.memref_slice %arg4[%add3A_104, %dma_wait3A_109] : memref<8192x1024xf32, #tpu.memory_space<hbm>> -> memref<32x1024xf32, #tpu.memory_space<hbm>>
    %dma_wait3A_111 = arith.constant 0 : i32
    %dma_wait3A_112 = tpu.memref_slice %arg4[%add3A_104, %dma_wait3A_111] : memref<8192x1024xf32, #tpu.memory_space<hbm>> -> memref<32x1024xf32, #tpu.memory_space<hbm>>
    tpu.wait_dma2 semaphore(%arg12 : memref<!tpu.dma_semaphore, #tpu.memory_space<semaphore_mem>>) src(%arg6 : memref<32x1024xf32, #tpu.memory_space<vmem>>) dst(%dma_wait3A_112 : memref<32x1024xf32, #tpu.memory_space<hbm>>)
    %dma_start3A_113 = arith.constant 6 : i32
    %dma_start3A_114 = arith.constant 0 : i32
    %dma_start3A_115 = tpu.memref_slice %arg5[%dma_start3A_113, %dma_start3A_114] : memref<8x32xi32, #tpu.memory_space<vmem>> -> memref<1x32xi32, #tpu.memory_space<vmem>>
    %dma_start3A_116 = tpu.memref_squeeze %dma_start3A_115 : memref<1x32xi32, #tpu.memory_space<vmem>> -> memref<32xi32, #tpu.memory_space<vmem>>
    %dma_start3A_117 = arith.constant 0 : i32
    %dma_start3A_118 = arith.constant 0 : i32
    %dma_start3A_119 = tpu.memref_slice %arg3[%dma_start3A_117, %dma_start3A_118] : memref<100000x1024xf32, #tpu.memory_space<hbm>> -> memref<100000x1024xf32, #tpu.memory_space<hbm>>
    tpu.enqueue_indirect_dma source(%dma_start3A_119 : memref<100000x1024xf32, #tpu.memory_space<hbm>>) target(%arg6 : memref<32x1024xf32, #tpu.memory_space<vmem>>) offsets(%dma_start3A_116 : memref<32xi32, #tpu.memory_space<vmem>>) semaphore(%arg9 : memref<!tpu.dma_semaphore, #tpu.memory_space<semaphore_mem>>)
    %dma_wait3A_120 = arith.constant 4 : i32
    %dma_wait3A_121 = arith.constant 0 : i32
    %dma_wait3A_122 = tpu.memref_slice %arg5[%dma_wait3A_120, %dma_wait3A_121] : memref<8x32xi32, #tpu.memory_space<vmem>> -> memref<1x32xi32, #tpu.memory_space<vmem>>
    %dma_wait3A_123 = tpu.memref_squeeze %dma_wait3A_122 : memref<1x32xi32, #tpu.memory_space<vmem>> -> memref<32xi32, #tpu.memory_space<vmem>>
    %dma_wait3A_124 = arith.constant 0 : i32
    %dma_wait3A_125 = arith.constant 0 : i32
    %dma_wait3A_126 = tpu.memref_slice %arg3[%dma_wait3A_124, %dma_wait3A_125] : memref<100000x1024xf32, #tpu.memory_space<hbm>> -> memref<100000x1024xf32, #tpu.memory_space<hbm>>
    tpu.wait_indirect_dma semaphore(%arg10 : memref<!tpu.dma_semaphore, #tpu.memory_space<semaphore_mem>>) src(%dma_wait3A_126 : memref<100000x1024xf32, #tpu.memory_space<hbm>>) dst(%arg7 : memref<32x1024xf32, #tpu.memory_space<vmem>>)
    %add3A_127 = arith.constant 128 : i32
    %add3A_128 = arith.addi %mul3A_2, %add3A_127 : i32
    %dma_start3A_129 = arith.constant 0 : i32
    %dma_start3A_130 = tpu.memref_slice %arg4[%add3A_128, %dma_start3A_129] : memref<8192x1024xf32, #tpu.memory_space<hbm>> -> memref<32x1024xf32, #tpu.memory_space<hbm>>
    %dma_start3A_131 = arith.constant 0 : i32
    %dma_start3A_132 = tpu.memref_slice %arg4[%add3A_128, %dma_start3A_131] : memref<8192x1024xf32, #tpu.memory_space<hbm>> -> memref<32x1024xf32, #tpu.memory_space<hbm>>
    tpu.enqueue_dma source(%arg7 : memref<32x1024xf32, #tpu.memory_space<vmem>>) target(%dma_start3A_132 : memref<32x1024xf32, #tpu.memory_space<hbm>>) target_semaphore(%arg13 : memref<!tpu.dma_semaphore, #tpu.memory_space<semaphore_mem>>)
    %dma_wait3A_133 = arith.constant 0 : i32
    %dma_wait3A_134 = tpu.memref_slice %arg4[%add3A_128, %dma_wait3A_133] : memref<8192x1024xf32, #tpu.memory_space<hbm>> -> memref<32x1024xf32, #tpu.memory_space<hbm>>
    %dma_wait3A_135 = arith.constant 0 : i32
    %dma_wait3A_136 = tpu.memref_slice %arg4[%add3A_128, %dma_wait3A_135] : memref<8192x1024xf32, #tpu.memory_space<hbm>> -> memref<32x1024xf32, #tpu.memory_space<hbm>>
    tpu.wait_dma2 semaphore(%arg13 : memref<!tpu.dma_semaphore, #tpu.memory_space<semaphore_mem>>) src(%arg7 : memref<32x1024xf32, #tpu.memory_space<vmem>>) dst(%dma_wait3A_136 : memref<32x1024xf32, #tpu.memory_space<hbm>>)
    %dma_start3A_137 = arith.constant 7 : i32
    %dma_start3A_138 = arith.constant 0 : i32
    %dma_start3A_139 = tpu.memref_slice %arg5[%dma_start3A_137, %dma_start3A_138] : memref<8x32xi32, #tpu.memory_space<vmem>> -> memref<1x32xi32, #tpu.memory_space<vmem>>
    %dma_start3A_140 = tpu.memref_squeeze %dma_start3A_139 : memref<1x32xi32, #tpu.memory_space<vmem>> -> memref<32xi32, #tpu.memory_space<vmem>>
    %dma_start3A_141 = arith.constant 0 : i32
    %dma_start3A_142 = arith.constant 0 : i32
    %dma_start3A_143 = tpu.memref_slice %arg3[%dma_start3A_141, %dma_start3A_142] : memref<100000x1024xf32, #tpu.memory_space<hbm>> -> memref<100000x1024xf32, #tpu.memory_space<hbm>>
    tpu.enqueue_indirect_dma source(%dma_start3A_143 : memref<100000x1024xf32, #tpu.memory_space<hbm>>) target(%arg7 : memref<32x1024xf32, #tpu.memory_space<vmem>>) offsets(%dma_start3A_140 : memref<32xi32, #tpu.memory_space<vmem>>) semaphore(%arg10 : memref<!tpu.dma_semaphore, #tpu.memory_space<semaphore_mem>>)
    %dma_wait3A_144 = arith.constant 5 : i32
    %dma_wait3A_145 = arith.constant 0 : i32
    %dma_wait3A_146 = tpu.memref_slice %arg5[%dma_wait3A_144, %dma_wait3A_145] : memref<8x32xi32, #tpu.memory_space<vmem>> -> memref<1x32xi32, #tpu.memory_space<vmem>>
    %dma_wait3A_147 = tpu.memref_squeeze %dma_wait3A_146 : memref<1x32xi32, #tpu.memory_space<vmem>> -> memref<32xi32, #tpu.memory_space<vmem>>
    %dma_wait3A_148 = arith.constant 0 : i32
    %dma_wait3A_149 = arith.constant 0 : i32
    %dma_wait3A_150 = tpu.memref_slice %arg3[%dma_wait3A_148, %dma_wait3A_149] : memref<100000x1024xf32, #tpu.memory_space<hbm>> -> memref<100000x1024xf32, #tpu.memory_space<hbm>>
    tpu.wait_indirect_dma semaphore(%arg11 : memref<!tpu.dma_semaphore, #tpu.memory_space<semaphore_mem>>) src(%dma_wait3A_150 : memref<100000x1024xf32, #tpu.memory_space<hbm>>) dst(%arg8 : memref<32x1024xf32, #tpu.memory_space<vmem>>)
    %add3A_151 = arith.constant 160 : i32
    %add3A_152 = arith.addi %mul3A_2, %add3A_151 : i32
    %dma_start3A_153 = arith.constant 0 : i32
    %dma_start3A_154 = tpu.memref_slice %arg4[%add3A_152, %dma_start3A_153] : memref<8192x1024xf32, #tpu.memory_space<hbm>> -> memref<32x1024xf32, #tpu.memory_space<hbm>>
    %dma_start3A_155 = arith.constant 0 : i32
    %dma_start3A_156 = tpu.memref_slice %arg4[%add3A_152, %dma_start3A_155] : memref<8192x1024xf32, #tpu.memory_space<hbm>> -> memref<32x1024xf32, #tpu.memory_space<hbm>>
    tpu.enqueue_dma source(%arg8 : memref<32x1024xf32, #tpu.memory_space<vmem>>) target(%dma_start3A_156 : memref<32x1024xf32, #tpu.memory_space<hbm>>) target_semaphore(%arg14 : memref<!tpu.dma_semaphore, #tpu.memory_space<semaphore_mem>>)
    %dma_wait3A_157 = arith.constant 6 : i32
    %dma_wait3A_158 = arith.constant 0 : i32
    %dma_wait3A_159 = tpu.memref_slice %arg5[%dma_wait3A_157, %dma_wait3A_158] : memref<8x32xi32, #tpu.memory_space<vmem>> -> memref<1x32xi32, #tpu.memory_space<vmem>>
    %dma_wait3A_160 = tpu.memref_squeeze %dma_wait3A_159 : memref<1x32xi32, #tpu.memory_space<vmem>> -> memref<32xi32, #tpu.memory_space<vmem>>
    %dma_wait3A_161 = arith.constant 0 : i32
    %dma_wait3A_162 = arith.constant 0 : i32
    %dma_wait3A_163 = tpu.memref_slice %arg3[%dma_wait3A_161, %dma_wait3A_162] : memref<100000x1024xf32, #tpu.memory_space<hbm>> -> memref<100000x1024xf32, #tpu.memory_space<hbm>>
    tpu.wait_indirect_dma semaphore(%arg9 : memref<!tpu.dma_semaphore, #tpu.memory_space<semaphore_mem>>) src(%dma_wait3A_163 : memref<100000x1024xf32, #tpu.memory_space<hbm>>) dst(%arg6 : memref<32x1024xf32, #tpu.memory_space<vmem>>)
    %add3A_164 = arith.constant 192 : i32
    %add3A_165 = arith.addi %mul3A_2, %add3A_164 : i32
    %dma_start3A_166 = arith.constant 0 : i32
    %dma_start3A_167 = tpu.memref_slice %arg4[%add3A_165, %dma_start3A_166] : memref<8192x1024xf32, #tpu.memory_space<hbm>> -> memref<32x1024xf32, #tpu.memory_space<hbm>>
    %dma_start3A_168 = arith.constant 0 : i32
    %dma_start3A_169 = tpu.memref_slice %arg4[%add3A_165, %dma_start3A_168] : memref<8192x1024xf32, #tpu.memory_space<hbm>> -> memref<32x1024xf32, #tpu.memory_space<hbm>>
    tpu.enqueue_dma source(%arg6 : memref<32x1024xf32, #tpu.memory_space<vmem>>) target(%dma_start3A_169 : memref<32x1024xf32, #tpu.memory_space<hbm>>) target_semaphore(%arg12 : memref<!tpu.dma_semaphore, #tpu.memory_space<semaphore_mem>>)
    %dma_wait3A_170 = arith.constant 7 : i32
    %dma_wait3A_171 = arith.constant 0 : i32
    %dma_wait3A_172 = tpu.memref_slice %arg5[%dma_wait3A_170, %dma_wait3A_171] : memref<8x32xi32, #tpu.memory_space<vmem>> -> memref<1x32xi32, #tpu.memory_space<vmem>>
    %dma_wait3A_173 = tpu.memref_squeeze %dma_wait3A_172 : memref<1x32xi32, #tpu.memory_space<vmem>> -> memref<32xi32, #tpu.memory_space<vmem>>
    %dma_wait3A_174 = arith.constant 0 : i32
    %dma_wait3A_175 = arith.constant 0 : i32
    %dma_wait3A_176 = tpu.memref_slice %arg3[%dma_wait3A_174, %dma_wait3A_175] : memref<100000x1024xf32, #tpu.memory_space<hbm>> -> memref<100000x1024xf32, #tpu.memory_space<hbm>>
    tpu.wait_indirect_dma semaphore(%arg10 : memref<!tpu.dma_semaphore, #tpu.memory_space<semaphore_mem>>) src(%dma_wait3A_176 : memref<100000x1024xf32, #tpu.memory_space<hbm>>) dst(%arg7 : memref<32x1024xf32, #tpu.memory_space<vmem>>)
    %add3A_177 = arith.constant 224 : i32
    %add3A_178 = arith.addi %mul3A_2, %add3A_177 : i32
    %dma_start3A_179 = arith.constant 0 : i32
    %dma_start3A_180 = tpu.memref_slice %arg4[%add3A_178, %dma_start3A_179] : memref<8192x1024xf32, #tpu.memory_space<hbm>> -> memref<32x1024xf32, #tpu.memory_space<hbm>>
    %dma_start3A_181 = arith.constant 0 : i32
    %dma_start3A_182 = tpu.memref_slice %arg4[%add3A_178, %dma_start3A_181] : memref<8192x1024xf32, #tpu.memory_space<hbm>> -> memref<32x1024xf32, #tpu.memory_space<hbm>>
    tpu.enqueue_dma source(%arg7 : memref<32x1024xf32, #tpu.memory_space<vmem>>) target(%dma_start3A_182 : memref<32x1024xf32, #tpu.memory_space<hbm>>) target_semaphore(%arg13 : memref<!tpu.dma_semaphore, #tpu.memory_space<semaphore_mem>>)
    %dma_wait3A_183 = arith.constant 0 : i32
    %dma_wait3A_184 = tpu.memref_slice %arg4[%add3A_165, %dma_wait3A_183] : memref<8192x1024xf32, #tpu.memory_space<hbm>> -> memref<32x1024xf32, #tpu.memory_space<hbm>>
    %dma_wait3A_185 = arith.constant 0 : i32
    %dma_wait3A_186 = tpu.memref_slice %arg4[%add3A_165, %dma_wait3A_185] : memref<8192x1024xf32, #tpu.memory_space<hbm>> -> memref<32x1024xf32, #tpu.memory_space<hbm>>
    tpu.wait_dma2 semaphore(%arg12 : memref<!tpu.dma_semaphore, #tpu.memory_space<semaphore_mem>>) src(%arg6 : memref<32x1024xf32, #tpu.memory_space<vmem>>) dst(%dma_wait3A_186 : memref<32x1024xf32, #tpu.memory_space<hbm>>)
    %dma_wait3A_187 = arith.constant 0 : i32
    %dma_wait3A_188 = tpu.memref_slice %arg4[%add3A_178, %dma_wait3A_187] : memref<8192x1024xf32, #tpu.memory_space<hbm>> -> memref<32x1024xf32, #tpu.memory_space<hbm>>
    %dma_wait3A_189 = arith.constant 0 : i32
    %dma_wait3A_190 = tpu.memref_slice %arg4[%add3A_178, %dma_wait3A_189] : memref<8192x1024xf32, #tpu.memory_space<hbm>> -> memref<32x1024xf32, #tpu.memory_space<hbm>>
    tpu.wait_dma2 semaphore(%arg13 : memref<!tpu.dma_semaphore, #tpu.memory_space<semaphore_mem>>) src(%arg7 : memref<32x1024xf32, #tpu.memory_space<vmem>>) dst(%dma_wait3A_190 : memref<32x1024xf32, #tpu.memory_space<hbm>>)
    %dma_wait3A_191 = arith.constant 0 : i32
    %dma_wait3A_192 = tpu.memref_slice %arg4[%add3A_152, %dma_wait3A_191] : memref<8192x1024xf32, #tpu.memory_space<hbm>> -> memref<32x1024xf32, #tpu.memory_space<hbm>>
    %dma_wait3A_193 = arith.constant 0 : i32
    %dma_wait3A_194 = tpu.memref_slice %arg4[%add3A_152, %dma_wait3A_193] : memref<8192x1024xf32, #tpu.memory_space<hbm>> -> memref<32x1024xf32, #tpu.memory_space<hbm>>
    tpu.wait_dma2 semaphore(%arg14 : memref<!tpu.dma_semaphore, #tpu.memory_space<semaphore_mem>>) src(%arg8 : memref<32x1024xf32, #tpu.memory_space<vmem>>) dst(%dma_wait3A_194 : memref<32x1024xf32, #tpu.memory_space<hbm>>)
    return
  }
}

module attributes {stable_mosaic.version = 14 : i64} {
  func.func @body(%arg0: i32, %arg1: i32, %arg2: memref<1x1x2048xi32, #tpu.memory_space<vmem>>, %arg3: memref<1x1x1024x2048xf32, #tpu.memory_space<vmem>>, %arg4: memref<1x64x2048xf32, #tpu.memory_space<vmem>>, %arg5: memref<1x64x2048xf32, #tpu.memory_space<vmem>>, %arg6: memref<1024x2048xf32, #tpu.memory_space<vmem>>) attributes {dimension_semantics = [#tpu.dimension_semantics<arbitrary>, #tpu.dimension_semantics<arbitrary>], iteration_bounds = array<i64: 2, 4>, scalar_prefetch = 0 : i64, scratch_operands = 1 : i64, tpu.core_type = #tpu.core_type<tc>, window_params = [{transform_indices = @transform_0, window_bounds = array<i64: 1, 1, 2048>}, {transform_indices = @transform_1, window_bounds = array<i64: 1, 1, 1024, 2048>}, {pipeline_mode = #tpu.pipeline_mode<synchronous>, transform_indices = @transform_2, window_bounds = array<i64: 1, 64, 2048>}, {pipeline_mode = #tpu.pipeline_mode<synchronous>, transform_indices = @transform_3, window_bounds = array<i64: 1, 64, 2048>}]} {
    %eq3A = arith.constant 0 : i32
    %eq3A_0 = arith.cmpi eq, %arg1, %eq3A : i32
    %convert_element_type3A = arith.extui %eq3A_0 : i1 to i32
    %cond3A = arith.constant 0 : i32
    %cond3A_1 = arith.cmpi ne, %convert_element_type3A, %cond3A : i32
    scf.if %cond3A_1 {
      %iota3A = tpu.iota {dimensions = array<i32: 0>} : vector<1024x2048xi32>
      %mul3A = arith.constant 1024 : i32
      %mul3A_28 = arith.muli %arg0, %mul3A : i32
      %add3A = vector.broadcast %mul3A_28 : i32 to vector<1024x2048xi32>
      %add3A_29 = arith.addi %iota3A, %add3A : vector<1024x2048xi32>
      %iota3A_30 = tpu.iota {dimensions = array<i32: 1>} : vector<1024x2048xi32>
      %gt3A = arith.cmpi sgt, %iota3A_30, %add3A_29 : vector<1024x2048xi32>
      %jit3A_31 = arith.constant -3.40282347E+38 : f32
      %jit3A_32 = arith.constant 0.000000e+00 : f32
      %broadcast_in_dim3A_33 = vector.broadcast %jit3A_31 : f32 to vector<1024x2048xf32>
      %broadcast_in_dim3A_34 = vector.broadcast %jit3A_32 : f32 to vector<1024x2048xf32>
      %select_n3A_35 = arith.select %gt3A, %broadcast_in_dim3A_33, %broadcast_in_dim3A_34 : vector<1024x2048xi1>, vector<1024x2048xf32>
      %swap3A_36 = arith.constant 0 : index
      %swap3A_37 = arith.constant 0 : index
      %swap3A_38 = vector.load %arg6[%swap3A_36, %swap3A_37] : memref<1024x2048xf32, #tpu.memory_space<vmem>>, vector<1024x2048xf32>
      tpu.vector_store %arg6[%swap3A_36, %swap3A_37], %select_n3A_35 {strides = array<i32>} : memref<1024x2048xf32, #tpu.memory_space<vmem>>, vector<1024x2048xf32>,
    } else {
    }
    %get3A = arith.constant 0 : index
    %get3A_2 = arith.constant 0 : index
    %get3A_3 = arith.constant 0 : index
    %get3A_4 = vector.load %arg2[%get3A, %get3A_2, %get3A_3] : memref<1x1x2048xi32, #tpu.memory_space<vmem>>, vector<1x1x2048xi32>
    %get3A_5 = vector.shape_cast %get3A_4 : vector<1x1x2048xi32> to vector<1x2048xi32>
    %eq3A_6 = arith.constant 0 : i32
    %eq3A_7 = vector.broadcast %eq3A_6 : i32 to vector<1x2048xi32>
    %eq3A_8 = arith.cmpi eq, %get3A_5, %eq3A_7 : vector<1x2048xi32>
    %jit3A = arith.constant -3.40282347E+38 : f32
    %jit3A_9 = arith.constant 0.000000e+00 : f32
    %broadcast_in_dim3A = vector.broadcast %jit3A : f32 to vector<1x2048xf32>
    %broadcast_in_dim3A_10 = vector.broadcast %jit3A_9 : f32 to vector<1x2048xf32>
    %select_n3A = arith.select %eq3A_8, %broadcast_in_dim3A, %broadcast_in_dim3A_10 : vector<1x2048xi1>, vector<1x2048xf32>
    %get3A_11 = arith.constant 0 : index
    %get3A_12 = arith.constant 0 : index
    %get3A_13 = vector.load %arg6[%get3A_11, %get3A_12] : memref<1024x2048xf32, #tpu.memory_space<vmem>>, vector<1024x2048xf32>
    %min3A = vector.broadcast %select_n3A : vector<1x2048xf32> to vector<1024x2048xf32>
    %min3A_14 = arith.minimumf %get3A_13, %min3A : vector<1024x2048xf32>
    %swap3A = arith.constant 0 : index
    %swap3A_15 = arith.constant 0 : index
    %swap3A_16 = arith.constant 0 : index
    %swap3A_17 = arith.constant 0 : index
    %swap3A_18 = vector.load %arg3[%swap3A, %swap3A_15, %swap3A_16, %swap3A_17] : memref<1x1x1024x2048xf32, #tpu.memory_space<vmem>>, vector<1x1x1024x2048xf32>
    %swap3A_19 = vector.shape_cast %swap3A_18 : vector<1x1x1024x2048xf32> to vector<1024x2048xf32>
    %swap3A_20 = vector.shape_cast %min3A_14 : vector<1024x2048xf32> to vector<1x1x1024x2048xf32>
    tpu.vector_store %arg3[%swap3A, %swap3A_15, %swap3A_16, %swap3A_17], %swap3A_20 {strides = array<i32>} : memref<1x1x1024x2048xf32, #tpu.memory_space<vmem>>, vector<1x1x1024x2048xf32>,
    %eq3A_21 = arith.constant 0 : i32
    %eq3A_22 = arith.cmpi eq, %arg0, %eq3A_21 : i32
    %eq3A_23 = arith.constant 0 : i32
    %eq3A_24 = arith.cmpi eq, %arg1, %eq3A_23 : i32
    %and3A = arith.andi %eq3A_22, %eq3A_24 : i1
    %convert_element_type3A_25 = arith.extui %and3A : i1 to i32
    %cond3A_26 = arith.constant 0 : i32
    %cond3A_27 = arith.cmpi ne, %convert_element_type3A_25, %cond3A_26 : i32
    scf.if %cond3A_27 {
      %iota3A = tpu.iota {dimensions = array<i32: 0>} : vector<64x2048xi32>
      %iota3A_28 = tpu.iota {dimensions = array<i32: 1>} : vector<64x2048xi32>
      %and3A_29 = arith.constant 31 : i32
      %and3A_30 = vector.broadcast %and3A_29 : i32 to vector<64x2048xi32>
      %and3A_31 = arith.andi %iota3A, %and3A_30 : vector<64x2048xi32>
      %convert_element_type3A_32 = arith.sitofp %and3A_31 : vector<64x2048xi32> to vector<64x2048xf32>
      %mul3A = arith.constant -0.287823141 : f32
      %mul3A_33 = vector.broadcast %mul3A : f32 to vector<64x2048xf32>
      %mul3A_34 = arith.mulf %convert_element_type3A_32, %mul3A_33 : vector<64x2048xf32>
      %exp3A = math.exp %mul3A_34 : vector<64x2048xf32>
      %convert_element_type3A_35 = arith.sitofp %iota3A_28 : vector<64x2048xi32> to vector<64x2048xf32>
      %mul3A_36 = arith.mulf %exp3A, %convert_element_type3A_35 : vector<64x2048xf32>
      %cos3A = math.cos %mul3A_36 : vector<64x2048xf32>
      %swap3A_37 = arith.constant 0 : index
      %swap3A_38 = arith.constant 0 : index
      %swap3A_39 = arith.constant 0 : index
      %swap3A_40 = vector.load %arg4[%swap3A_37, %swap3A_38, %swap3A_39] : memref<1x64x2048xf32, #tpu.memory_space<vmem>>, vector<1x64x2048xf32>
      %swap3A_41 = vector.shape_cast %swap3A_40 : vector<1x64x2048xf32> to vector<64x2048xf32>
      %swap3A_42 = vector.shape_cast %cos3A : vector<64x2048xf32> to vector<1x64x2048xf32>
      tpu.vector_store %arg4[%swap3A_37, %swap3A_38, %swap3A_39], %swap3A_42 {strides = array<i32>} : memref<1x64x2048xf32, #tpu.memory_space<vmem>>, vector<1x64x2048xf32>,
      %sin3A = math.sin %mul3A_36 : vector<64x2048xf32>
      %swap3A_43 = arith.constant 0 : index
      %swap3A_44 = arith.constant 0 : index
      %swap3A_45 = arith.constant 0 : index
      %swap3A_46 = vector.load %arg5[%swap3A_43, %swap3A_44, %swap3A_45] : memref<1x64x2048xf32, #tpu.memory_space<vmem>>, vector<1x64x2048xf32>
      %swap3A_47 = vector.shape_cast %swap3A_46 : vector<1x64x2048xf32> to vector<64x2048xf32>
      %swap3A_48 = vector.shape_cast %sin3A : vector<64x2048xf32> to vector<1x64x2048xf32>
      tpu.vector_store %arg5[%swap3A_43, %swap3A_44, %swap3A_45], %swap3A_48 {strides = array<i32>} : memref<1x64x2048xf32, #tpu.memory_space<vmem>>, vector<1x64x2048xf32>,
    } else {
    }
    return
  }
  func.func @transform_0(%arg0: i32, %arg1: i32) -> (i32, i32, i32) {
    %c0_i32 = arith.constant 0 : i32
    %c0_i32_0 = arith.constant 0 : i32
    %c0_i32_1 = arith.constant 0 : i32
    return %arg1, %c0_i32, %c0_i32_0 : i32, i32, i32
  }
  func.func @transform_1(%arg0: i32, %arg1: i32) -> (i32, i32, i32, i32) {
    %c0_i32 = arith.constant 0 : i32
    %c0_i32_0 = arith.constant 0 : i32
    %c0_i32_1 = arith.constant 0 : i32
    return %arg1, %c0_i32, %arg0, %c0_i32_0 : i32, i32, i32, i32
  }
  func.func @transform_2(%arg0: i32, %arg1: i32) -> (i32, i32, i32) {
    %c0_i32 = arith.constant 0 : i32
    %c0_i32_0 = arith.constant 0 : i32
    %c0_i32_1 = arith.constant 0 : i32
    %c0_i32_2 = arith.constant 0 : i32
    return %c0_i32, %c0_i32_0, %c0_i32_1 : i32, i32, i32
  }
  func.func @transform_3(%arg0: i32, %arg1: i32) -> (i32, i32, i32) {
    %c0_i32 = arith.constant 0 : i32
    %c0_i32_0 = arith.constant 0 : i32
    %c0_i32_1 = arith.constant 0 : i32
    %c0_i32_2 = arith.constant 0 : i32
    return %c0_i32, %c0_i32_0, %c0_i32_1 : i32, i32, i32
  }
}

</mosaic_0001>

<sc_bundles>
// kernel: kernel.4.cloned.1.call-start
scs
__scs_entry_jumppad:
0x0: {  	(pc) =	sbr.rel $0x88, $3  }
0x1: {  	(tag) =	ssettag $0x0;
	lr =	simm.s32 $0x1  }
0x2: {  	[smem:$0x3F9D] =	sst lr;
	_ =	strace $0xD0000000  }
0x3: {  	_ = 	snop  }
0x4: {  	_ = 	snop  }
0x5: {  	_ = 	snop  }
0x6: {  	_ = 	snop  }
0x7: {  	_ = 	snop  }
__scs_overlays_trampoline_lowered:
0x8: {  	[smem:$0x3FAC] =	sst s0  }
0x9: {  	[smem:$0x3FAD] =	sst s1  }
0xa: {  	[smem:$0x3FAE] =	sst s2  }
0xb: {  	[smem:$0x3FAF] =	sst s3  }
0xc: {  	[smem:$0x3FB0] =	sst s4  }
0xd: {  	[smem:$0x3FB1] =	sst s5  }
0xe: {  	[smem:$0x3FB2] =	sst s6  }
0xf: {  	[smem:$0x3FB3] =	sst s7  }
0x10: {  	[smem:$0x3FB4] =	sst s8  }
0x11: {  	[smem:$0x3FB5] =	sst s9;
	s0 =	simm.s32 @!p0 $0x0  }
0x12: {  	s1 =	sld [smem:$0x3F9B];
	s0 =	simm.s32 @p0 $0x1  }
0x13: {  	[smem:$0x3FB6] =	sst s0;
	s0 =	simm.s32 @!p1 $0x0  }
0x14: {  	s2 =	sld [smem:$0x3F9A];
	s0 =	simm.s32 @p1 $0x1  }
0x15: {  	[smem:$0x3FB7] =	sst s0;
	s0 =	simm.s32 @!p2 $0x0  }
0x16: {  	s3 =	sld [smem:$0x3FDB];
	s0 =	simm.s32 @p2 $0x1  }
0x17: {  	s4 =	simm.s32 $0x1BF5;
	[smem:$0x3FB9] =	sst s0  }
0x18: {  	s0 =	sld [smem:$0x3F9C];
	_ =	swait.ge [sflag:s4], $0x0  }
0x19: {  	s7 =	sld [smem:$0x3F9D]  }
0x1a: {  	s8 =	sadd.s32 $0xFFFFE003, lr  }
0x1b: {  	s9 =	sadd.s32 $0xFFFFFEF7, lr;
	s5 =	simm.s32 $0xFFFFFFFF;
	p2 =	slt.u32 s8, $0xFFFFF086  }
0x1c: {  	p1 =	slt.u32 s9, $0xF7A;
	s5 =	simm.s32 @!p2 $0x0  }
0x1d: {  	s5 =	simm.s32 @p1 $0x1;
	p0 =	seq.s32 s7, s2  }
0x1e: {  	s7 =	smul.u32 @!p0 $0xF7A, s2;
	p2 =	seq.s32 @!p0 s5, $0x0  }
0x1f: {  	s9 =	smul.u32 $0xF7A, s1;
	s8 =	simm.s32 @!p0 $0x1BF5;
	p2 =	por !p2, p0  }
0x20: {  	[sflag:s8] =	ssyncset.s32 @!p0 $0xFFFFF086;
	s6 =	sadd.s32 @!p0 s3, s7;
	s7 =	simm.s32 @!p0 $0x108  }
0x21: {  	s3 =	sadd.s32 s3, s9;
	s6 =	sadd.s32 @!p0 $0x88, s6;
	s7 =	simm.s32 @p2 $0x1082  }
0x22: {  	[simem:s7], [sflag:s8] =	dma.local @!p0 [hbm:s6], $0xF7A  }
0x23: {  	s9 =	sor.u32 $0xD0000000, s2;
	s6 =	simm.s32 $0x108;
	_ =	swait.ge @!p0 [sflag:s8], $0x0  }
0x24: {  	s3 =	sadd.s32 $0x88, s3;
	s6 =	simm.s32 @!p1 $0x1082;
	[sflag:s4] =	ssyncset.s32 $0xFFFFF086  }
0x25: {  	[simem:s6], [sflag:s4] =	dma.local [hbm:s3], $0xF7A  }
0x26: {  	[smem:$0x3F9D] =	sst s1;
	(tag) =	ssettag s2;
	_ =	strace s9  }
0x27: {  	s1 =	sld [smem:$0x3FAD]  }
0x28: {  	s2 =	sld [smem:$0x3FAE]  }
0x29: {  	s4 =	sld [smem:$0x3FB0]  }
0x2a: {  	p0 =	seq.s32 s5, $0x0;
	s5 =	sld [smem:$0x3FB1]  }
0x2b: {  	s6 =	sld [smem:$0x3FB2]  }
0x2c: {  	s7 =	sld [smem:$0x3FB3]  }
0x2d: {  	s3 =	simm.s32 $0x108;
	s8 =	sld [smem:$0x3FB4]  }
0x2e: {  	s3 =	simm.s32 @!p0 $0x1082;
	s9 =	sld [smem:$0x3FB5]  }
0x2f: {  	lr =	sadd.s32 s0, s3;
	s0 =	sld [smem:$0x3FAC]  }
0x30: {  	s3 =	sld [smem:$0x3FAF]  }
0x31: {  	[smem:$0x3FB8] =	sst s10  }
0x32: {  	s10 =	sld [smem:$0x3FB6];
	_ =	sdelay $0x3  }
0x33: {  	p0 =	seq.s32 s10, $0x1;
	s10 =	sld [smem:$0x3FB8];
	_ =	sdelay $0x3  }
0x34: {  	[smem:$0x3FB8] =	sst s10  }
0x35: {  	s10 =	sld [smem:$0x3FB7];
	_ =	sdelay $0x3  }
0x36: {  	p1 =	seq.s32 s10, $0x1;
	s10 =	sld [smem:$0x3FB8];
	_ =	sdelay $0x3  }
0x37: {  	[smem:$0x3FB8] =	sst s10  }
0x38: {  	s10 =	sld [smem:$0x3FB9]  }
0x39: {  	_ = 	snop;
	(pc) =	sbr.ind lr, $3  }
0x3a: {  	_ = 	snop  }
0x3b: {  	_ = 	snop  }
0x3c: {  	p2 =	seq.s32 s10, $0x1;
	s10 =	sld [smem:$0x3FB8]  }
0x3d: {  	_ =	shalt  }
0x3e: {  	_ =	shalt  }
0x3f: {  	_ =	shalt  }
0x40: {  	_ =	shalt  }
0x41: {  	_ =	shalt  }
0x42: {  	_ =	shalt  }
0x43: {  	_ =	shalt  }
0x44: {  	_ =	shalt  }
0x45: {  	_ =	shalt  }
0x46: {  	_ =	shalt  }
0x47: {  	_ =	shalt  }
0x48: {  	_ =	shalt  }
0x49: {  	_ =	shalt  }
0x4a: {  	_ =	shalt  }
0x4b: {  	_ =	shalt  }
0x4c: {  	_ =	shalt  }
0x4d: {  	_ =	shalt  }
0x4e: {  	_ =	shalt  }
0x4f: {  	_ =	shalt  }
0x50: {  	_ =	shalt  }
0x51: {  	_ =	shalt  }
0x52: {  	_ =	shalt  }
0x53: {  	_ =	shalt  }
0x54: {  	_ =	shalt  }
0x55: {  	_ =	shalt  }
0x56: {  	_ =	shalt  }
0x57: {  	_ =	shalt  }
0x58: {  	_ =	shalt  }
0x59: {  	_ =	shalt  }
0x5a: {  	_ =	shalt  }
0x5b: {  	_ =	shalt  }
0x5c: {  	_ =	shalt  }
0x5d: {  	_ =	shalt  }
0x5e: {  	_ =	shalt  }
0x5f: {  	_ =	shalt  }
0x60: {  	_ =	shalt  }
0x61: {  	_ =	shalt  }
0x62: {  	_ =	shalt  }
0x63: {  	_ =	shalt  }
0x64: {  	_ =	shalt  }
0x65: {  	_ =	shalt  }
0x66: {  	_ =	shalt  }
0x67: {  	_ =	shalt  }
0x68: {  	_ =	shalt  }
0x69: {  	_ =	shalt  }
0x6a: {  	_ =	shalt  }
0x6b: {  	_ =	shalt  }
0x6c: {  	_ =	shalt  }
0x6d: {  	_ =	shalt  }
0x6e: {  	_ =	shalt  }
0x6f: {  	_ =	shalt  }
0x70: {  	_ =	shalt  }
0x71: {  	_ =	shalt  }
0x72: {  	_ =	shalt  }
0x73: {  	_ =	shalt  }
0x74: {  	_ =	shalt  }
0x75: {  	_ =	shalt  }
0x76: {  	_ =	shalt  }
0x77: {  	_ =	shalt  }
0x78: {  	_ =	shalt  }
0x79: {  	_ =	shalt  }
0x7a: {  	_ =	shalt  }
0x7b: {  	_ =	shalt  }
0x7c: {  	_ =	shalt  }
0x7d: {  	_ =	shalt  }
0x7e: {  	_ =	shalt  }
0x7f: {  	_ =	shalt  }
0x80: {  	_ =	shalt  }
0x81: {  	_ =	shalt  }
0x82: {  	_ =	shalt  }
0x83: {  	_ =	shalt  }
0x84: {  	_ =	shalt  }
0x85: {  	_ =	shalt  }
0x86: {  	_ =	shalt  }
0x87: {  	_ =	shalt  }
.Lfunc_end0:
.L_simem_size_0:
called_computation_lowered:
.L_overlay_start_0:
0x88: {  	s2 =	sld [smem:$0x3FD9]  }
0x89: {  	s3 =	sld [smem:$0x3FFE];
	_ =	sdelay $0x1  }
0x8a: {  	s1 =	srdreg.scid  }
0x8b: {  	s0 =	sand.u32 $0x1, s1  }
0x8c: {  	s14 =	sshll.u32 s0, $0xA;
	s2 =	sadd.s32 s3, s2  }
0x8d: {  	s2 =	sadd.s32 s2, s14  }
0x8e: {  	[smem:$0x3FC4] =	sst s2  }
0x8f: {  	_ = 	snop  }
0x90: {  	s2 =	sld [smem:$0x3FD0];
	_ =	sdelay $0x2  }
0x91: {  	s4 =	simm.s32 $0xA;
	s5 =	simm.s32 $0x10;
	s15 =	sld [smem:$0x3FC6]  }
0x92: {  	[smem:s5], [sflag:s4] =	dma.local [hbm:s2], $0x1  }
0x93: {  	_ =	swait.eq [sflag:s4], $0x1  }
0x94: {  	[sflag:s4] =	ssyncset.done $0x0  }
0x95: {  	[sflag:s4] =	ssyncadd.s32 $0xFFFFFFFF  }
0x96: {  	s16 =	sld [smem:$0x10];
	(tm) =	ssettm $0x1  }
0x97: {  	s17 =	sld [smem:$0x3FFB];
	_ =	sdelay $0x3  }
0x98: {  	_ =	strace s17  }
0x99: {  	s4 =	sld [smem:$0x3FFC];
	_ =	sdelay $0x3  }
0x9a: {  	_ =	strace s4  }
0x9b: {  	s4 =	sld [smem:$0x3FFD];
	_ =	sdelay $0x3  }
0x9c: {  	_ =	strace s4  }
0x9d: {  	_ =	strace $0x8FFFFFFF  }
0x9e: {  	s18 =	sld [smem:$0x3FDB];
	_ =	sdelay $0x1  }
0x9f: {  	s19 =	simm.s32 $_scs_section_size  }
0xa0: {  	s6 =	simm.s32 $_size__tile_overlayer_lowered;
	s7 =	simm.s32 $_tile_overlayer_lowered  }
0xa1: {  	s22 =	simm.s32 $0x1BFF;
	s21 =	sshll.u32 s7, $0x1;
	s4 =	sadd.s32 s19, s18  }
0xa2: {  	s8 =	simm.s32 $0x0;
	s20 =	sshll.u32 s6, $0x1;
	s6 =	sadd.s32 s21, s4  }
0xa3: {  	[timem:s8], [sflag:s22] =	dma.local [hbm:s6], s20  }
0xa4: {  	_ =	swait.ge [sflag:s22], s20  }
0xa5: {  	s5 =	ssub.s32 $0x0, s20;
	[sflag:s22] =	ssyncset.done $0x0  }
0xa6: {  	[sflag:s22] =	ssyncadd.s32 s5;
	_ =	sdelay $0x1  }
0xa7: {  	s23 =	simm.s32 $0x1B8B  }
0xa8: {  	_ =	swait.ge [sflag:s23], $0x1  }
0xa9: {  	[sflag:s23] =	ssyncset.done $0x0  }
0xaa: {  	s25 =	simm.s32 $0x1B8E;
	s24 =	sld [smem:$0x3FFE];
	[sflag:s23] =	ssyncadd.s32 $0xFFFFFFFF  }
0xab: {  	s26 =	simm.s32 $execute0_lowered;
	[smem:$0x3FD2] =	sst s25  }
0xac: {  	s6 =	sshll.u32 s26, $0x1;
	_ =	strace $0x80000046;
	[dreg:$0x1] =	wrdreg $0xFFFFFFFF  }
0xad: {  	s28 =	simm.s32 $_size_execute0_lowered;
	s4 =	sadd.s32 s4, s6;
	[dreg:$0x0] =	wrdreg $0x0  }
0xae: {  	s6 =	sshll.u32 s28, $0x1;
	[dreg:$0x2] =	wrdreg s4  }
0xaf: {  	[dreg:$0x3] =	wrdreg s6  }
0xb0: {  	[dreg:$0x4] =	wrdreg $0xC0  }
0xb1: {  	_ =	task [dreg:s8], $0x5FFFF  }
0xb2: {  	[dreg:$0x1] =	wrdreg $0xFFFFFFFF  }
0xb3: {  	[dreg:$0x0] =	wrdreg $0x60  }
0xb4: {  	[dreg:$0x2] =	wrdreg s24  }
0xb5: {  	[dreg:$0x3] =	wrdreg s15  }
0xb6: {  	[dreg:$0x4] =	wrdreg s16  }
0xb7: {  	[dreg:$0x5] =	wrdreg $0x9  }
0xb8: {  	_ =	task.clear_ibuf [dreg:s8], $0x6FFFF;
	_ =	strace $0x90000046  }
0xb9: {  	s29 =	simm.s32 $0x9;
	_ =	strace $0x80000048  }
0xba: {  	_ =	swait.ge [sflag:s29], $0x1  }
0xbb: {  	[sflag:s29] =	ssyncadd.s32 $0xFFFFFFFF  }
0xbc: {  	_ =	strace $0x90000048  }
0xbd: {  	_ =	sfence  }
0xbe: {  	s30 =	sld [smem:$0x0];
	_ =	sdelay $0x2  }
0xbf: {  	s31 =	sshll.u32 s1, $0xD;
	s1 =	sshrl.u32 s1, $0x2  }
0xc0: {  	s3 =	sand.u32 $0x4000, s31;
	s1 =	sadd.s32 s1, s30  }
0xc1: {  	s0 =	sor.u32 s3, s0;
	s1 =	sshll.u32 s1, $0x11  }
0xc2: {  	s0 =	sor.u32 s1, s0  }
0xc3: {  	s0 =	sadd.s32 $0x8F2B, s0  }
0xc4: {  	[sflag:s0] =	ssyncadd.remote.s32 $0x1  }
0xc5: {  	_ =	sfence.sel $0xFFFF  }
0xc6: {  	[dreg:$0x0] =	wrdreg $0xFFFFFFFF;
	(pc) =	sbr.abs _section_cstart, $3  }
0xc7: {  	[dreg:$0x1] =	wrdreg $0xFFFFFFFF  }
0xc8: {  	_ =	task.clear_ibuf [dreg:s8], $0x2FFFF;
	_ =	strace $0x9FFFFFFF  }
0xc9: {  	(tm) =	ssettm $0x7FFFFFFF  }
tec
execute0_lowered:
.L_overlay_start_1:
0x0: {  	(tag) =	ssettag $0x1  }
0x1: {  	s0 =	rddreg [dreg:$0x0]  }
0x2: {  	s1 =	srdreg.scid;
	s2 =	rddreg [dreg:$0x1]  }
0x3: {  	s3 =	stileid.u32;
	s4 =	rddreg [dreg:$0x2];
	s31 =	simm.s32 $0x3  }
0x4: {  	s9 =	simm.s32 $0x11C00;
	s10 =	simm.s32 $0x12400;
	s11 =	simm.s32 $0x12C00  }
0x5: {  	s12 =	simm.s32 $0x13400;
	s13 =	simm.s32 $0x13C00;
	s14 =	simm.s32 $0x14400  }
0x6: {  	s15 =	simm.s32 $0x14C00;
	s16 =	simm.s32 $0x15400;
	s17 =	simm.s32 $0x15C00  }
0x7: {  	s18 =	simm.s32 $0x16400;
	s1 =	sand.u32 $0x1, s1;
	s3 =	sshll.u32 s3, $0x1  }
0x8: {  	s28 =	simm.s32 $0x16C00;
	s29 =	simm.s32 $0x17400;
	s5 =	sor.u32 s1, s3  }
0x9: {  	s3 =	simm.s32 $0x0;
	s6 =	sshll.u32 s5, $0x7;
	s5 =	sshll.u32 s5, $0xF  }
0xa: {  	[smem:$0x7FF] =	sst s3;
	s0 =	sadd.s32 s6, s0;
	s8 =	sadd.s32 s4, s5  }
0xb: {  	_ =	strace $0x80000047;
	s0 =	sadd.s32 $0xA00, s0;
	[dreg:$0xc] =	wrdreg s8  }
0xc: {  	s30 =	simm.s32 $0x17C00;
	s19 =	sadd.s32 $0x1000, s8;
	[dreg:$0x4] =	wrdreg s0  }
0xd: {  	s7 =	sadd.s32 $0x300, s2;
	s20 =	sadd.s32 $0x2000, s8;
	[dreg:$0x5] =	wrdreg s19  }
0xe: {  	s1 =	ssub.s32 $0x2, s1;
	s22 =	sadd.s32 $0x3000, s8;
	[dreg:$0x6] =	wrdreg s20  }
0xf: {  	s21 =	sshrl.u32 s1, $0x1;
	s23 =	sadd.s32 $0x4000, s8;
	[dreg:$0x7] =	wrdreg s22  }
0x10: {  	s1 =	ssub.s32 s1, s21;
	s24 =	sadd.s32 $0x5000, s8;
	[dreg:$0x8] =	wrdreg s23  }
0x11: {  	s5 =	sadd.s32 $0x100, s2;
	s25 =	sadd.s32 $0x6000, s8;
	[dreg:$0x9] =	wrdreg s24  }
0x12: {  	s6 =	sadd.s32 $0x200, s2;
	s26 =	sadd.s32 $0x7000, s8;
	[dreg:$0xa] =	wrdreg s25  }
0x13: {  	v2 =	vlaneseq.u32;
	s21 =	simm.s32 $0x2;
	s8 =	smax.u32 s1, $0x1;
	[dreg:$0xb] =	wrdreg s26  }
0x14: {  	vm0 =	vmmov $0xffff;
	v1 =	vshrl.u32 v2, $0x3;
	s19 =	simm.s32 $0x1;
	s20 =	simm.s32 $0x4;
	s22 =	simm.s32 $0x5  }
0x15: {  	v0 =	vand.u32 $0x7, v2;
	v2 =	vor.u32 $0x8, v2;
	v1 =	vmul.u32 $0x8, v1;
	s24 =	simm.s32 $0x6;
	s26 =	simm.s32 $0x400;
	s23 =	simm.s32 $0x10C00  }
.LBB2_1:
0x16: {  	s25 =	rddreg [dreg:$0x4];
	s4 =	simm.s32 $0x7  }
0x17: {  	[tilespmem:s3], [sflag:$0x7] =	stream.linear.gather [hbm4b:s25+s3], $0x400, $0x38;
	[tilespmem:$0x18400] =	vst v63  }
0x18: {  	_ =	swait.ge [sflag:s4], $0x400  }
0x19: {  	[sflag:s4] =	ssyncset.done $0x0  }
0x1a: {  	[sflag:s4] =	ssyncadd.s32 $0xFFFFFC00  }
0x1b: {  	v3 =	vld [tilespmem:$0x0];
	_ =	sdelay $0x4  }
0x1c: {  	v4 =	vshll.u32 v3, $0x3  }
0x1d: {  	v3 =	vand.u32 $0x7, v3;
	v4 =	vand.u32 $0xFFFFFFC0, v4  }
0x1e: {  	v3 =	vor.u32 v3, v4  }
0x1f: {  	v4 =	vperm.xlane v3, v0;
	_ =	sdelay $0x1  }
0x20: {  	v4 =	vadd.s32 v1, v4;
	_ =	sdelay $0x4  }
0x21: {  	[tilespmem:s26], [sflag:$0x1] =	stream.indirect_vreg.gather [hbm4b:s2+s3], $0x80, v4, vm0, $0xb8;
	[tilespmem:$0x18400] =	vst v63  }
0x22: {  	s0 =	simm.s32 $0xC00;
	v3 =	vperm.xlane v3, v2  }
0x23: {  	[tilespmem:s0], [sflag:$0x1] =	stream.indirect_vreg.gather [hbm4b:s5+s3], $0x80, v4, vm0, $0xb8;
	[tilespmem:$0x18400] =	vst v63  }
0x24: {  	s25 =	simm.s32 $0x1400;
	v3 =	vadd.s32 v1, v3  }
0x25: {  	[tilespmem:s25], [sflag:$0x1] =	stream.indirect_vreg.gather [hbm4b:s6+s3], $0x80, v4, vm0, $0xb8;
	[tilespmem:$0x18400] =	vst v63  }
0x26: {  	s1 =	simm.s32 $0x1C00  }
0x27: {  	[tilespmem:s1], [sflag:$0x1] =	stream.indirect_vreg.gather [hbm4b:s7+s3], $0x80, v4, vm0, $0xb8;
	[tilespmem:$0x18400] =	vst v63  }
0x28: {  	s4 =	simm.s32 $0x2400  }
0x29: {  	[tilespmem:s4], [sflag:$0x1] =	stream.indirect_vreg.gather [hbm4b:s2+s3], $0x80, v3, vm0, $0xb8;
	[tilespmem:$0x18400] =	vst v63  }
0x2a: {  	s25 =	simm.s32 $0x2C00  }
0x2b: {  	[tilespmem:s25], [sflag:$0x1] =	stream.indirect_vreg.gather [hbm4b:s5+s3], $0x80, v3, vm0, $0xb8;
	[tilespmem:$0x18400] =	vst v63  }
0x2c: {  	s1 =	simm.s32 $0x3400  }
0x2d: {  	[tilespmem:s1], [sflag:$0x1] =	stream.indirect_vreg.gather [hbm4b:s6+s3], $0x80, v3, vm0, $0xb8;
	[tilespmem:$0x18400] =	vst v63  }
0x2e: {  	s4 =	simm.s32 $0x3C00  }
0x2f: {  	[tilespmem:s4], [sflag:$0x1] =	stream.indirect_vreg.gather [hbm4b:s7+s3], $0x80, v3, vm0, $0xb8;
	[tilespmem:$0x18400] =	vst v63  }
0x30: {  	v3 =	vld [tilespmem:$0x10];
	_ =	sdelay $0x4  }
0x31: {  	v49 =	vshll.u32 v3, $0x3  }
0x32: {  	v3 =	vand.u32 $0x7, v3;
	v4 =	vand.u32 $0xFFFFFFC0, v49  }
0x33: {  	v3 =	vor.u32 v3, v4  }
0x34: {  	v4 =	vperm.xlane v3, v0;
	_ =	sdelay $0x1  }
0x35: {  	v4 =	vadd.s32 v1, v4;
	_ =	sdelay $0x3  }
0x36: {  	s25 =	simm.s32 $0x4400  }
0x37: {  	[tilespmem:s25], [sflag:$0x1] =	stream.indirect_vreg.gather [hbm4b:s2+s3], $0x80, v4, vm0, $0xb8;
	[tilespmem:$0x18400] =	vst v63  }
0x38: {  	s1 =	simm.s32 $0x4C00;
	v3 =	vperm.xlane v3, v2  }
0x39: {  	[tilespmem:s1], [sflag:$0x1] =	stream.indirect_vreg.gather [hbm4b:s5+s3], $0x80, v4, vm0, $0xb8;
	[tilespmem:$0x18400] =	vst v63  }
0x3a: {  	s4 =	simm.s32 $0x5400;
	v3 =	vadd.s32 v1, v3  }
0x3b: {  	[tilespmem:s4], [sflag:$0x1] =	stream.indirect_vreg.gather [hbm4b:s6+s3], $0x80, v4, vm0, $0xb8;
	[tilespmem:$0x18400] =	vst v63  }
0x3c: {  	s25 =	simm.s32 $0x5C00  }
0x3d: {  	[tilespmem:s25], [sflag:$0x1] =	stream.indirect_vreg.gather [hbm4b:s7+s3], $0x80, v4, vm0, $0xb8;
	[tilespmem:$0x18400] =	vst v63  }
0x3e: {  	s1 =	simm.s32 $0x6400  }
0x3f: {  	[tilespmem:s1], [sflag:$0x1] =	stream.indirect_vreg.gather [hbm4b:s2+s3], $0x80, v3, vm0, $0xb8;
	[tilespmem:$0x18400] =	vst v63  }
0x40: {  	s4 =	simm.s32 $0x6C00  }
0x41: {  	[tilespmem:s4], [sflag:$0x1] =	stream.indirect_vreg.gather [hbm4b:s5+s3], $0x80, v3, vm0, $0xb8;
	[tilespmem:$0x18400] =	vst v63  }
0x42: {  	s25 =	simm.s32 $0x7400  }
0x43: {  	[tilespmem:s25], [sflag:$0x1] =	stream.indirect_vreg.gather [hbm4b:s6+s3], $0x80, v3, vm0, $0xb8;
	[tilespmem:$0x18400] =	vst v63  }
0x44: {  	s1 =	simm.s32 $0x7C00  }
0x45: {  	[tilespmem:s1], [sflag:$0x1] =	stream.indirect_vreg.gather [hbm4b:s7+s3], $0x80, v3, vm0, $0xb8;
	[tilespmem:$0x18400] =	vst v63  }
0x46: {  	v3 =	vld [tilespmem:$0x80];
	_ =	sdelay $0x4  }
0x47: {  	v50 =	vshll.u32 v3, $0x3  }
0x48: {  	v3 =	vand.u32 $0x7, v3;
	v4 =	vand.u32 $0xFFFFFFC0, v50  }
0x49: {  	v3 =	vor.u32 v3, v4  }
0x4a: {  	v4 =	vperm.xlane v3, v0;
	_ =	sdelay $0x1  }
0x4b: {  	v4 =	vadd.s32 v1, v4;
	_ =	sdelay $0x3  }
0x4c: {  	s0 =	simm.s32 $0x8400  }
0x4d: {  	[tilespmem:s0], [sflag:$0x2] =	stream.indirect_vreg.gather [hbm4b:s2+s3], $0x80, v4, vm0, $0xb8;
	[tilespmem:$0x18400] =	vst v63  }
0x4e: {  	s1 =	simm.s32 $0x8C00;
	v3 =	vperm.xlane v3, v2  }
0x4f: {  	[tilespmem:s1], [sflag:$0x2] =	stream.indirect_vreg.gather [hbm4b:s5+s3], $0x80, v4, vm0, $0xb8;
	[tilespmem:$0x18400] =	vst v63  }
0x50: {  	s4 =	simm.s32 $0x9400;
	v3 =	vadd.s32 v1, v3  }
0x51: {  	[tilespmem:s4], [sflag:$0x2] =	stream.indirect_vreg.gather [hbm4b:s6+s3], $0x80, v4, vm0, $0xb8;
	[tilespmem:$0x18400] =	vst v63  }
0x52: {  	s25 =	simm.s32 $0x9C00  }
0x53: {  	[tilespmem:s25], [sflag:$0x2] =	stream.indirect_vreg.gather [hbm4b:s7+s3], $0x80, v4, vm0, $0xb8;
	[tilespmem:$0x18400] =	vst v63  }
0x54: {  	s4 =	simm.s32 $0xA400  }
0x55: {  	[tilespmem:s4], [sflag:$0x2] =	stream.indirect_vreg.gather [hbm4b:s2+s3], $0x80, v3, vm0, $0xb8;
	[tilespmem:$0x18400] =	vst v63  }
0x56: {  	s25 =	simm.s32 $0xAC00  }
0x57: {  	[tilespmem:s25], [sflag:$0x2] =	stream.indirect_vreg.gather [hbm4b:s5+s3], $0x80, v3, vm0, $0xb8;
	[tilespmem:$0x18400] =	vst v63  }
0x58: {  	s4 =	simm.s32 $0xB400  }
0x59: {  	[tilespmem:s4], [sflag:$0x2] =	stream.indirect_vreg.gather [hbm4b:s6+s3], $0x80, v3, vm0, $0xb8;
	[tilespmem:$0x18400] =	vst v63  }
0x5a: {  	s25 =	simm.s32 $0xBC00  }
0x5b: {  	[tilespmem:s25], [sflag:$0x2] =	stream.indirect_vreg.gather [hbm4b:s7+s3], $0x80, v3, vm0, $0xb8;
	[tilespmem:$0x18400] =	vst v63  }
0x5c: {  	v3 =	vld [tilespmem:$0x90];
	_ =	sdelay $0x4  }
0x5d: {  	v51 =	vshll.u32 v3, $0x3  }
0x5e: {  	v3 =	vand.u32 $0x7, v3;
	v4 =	vand.u32 $0xFFFFFFC0, v51  }
0x5f: {  	v3 =	vor.u32 v3, v4  }
0x60: {  	v4 =	vperm.xlane v3, v0;
	_ =	sdelay $0x1  }
0x61: {  	v4 =	vadd.s32 v1, v4;
	_ =	sdelay $0x3  }
0x62: {  	s4 =	simm.s32 $0xC400  }
0x63: {  	[tilespmem:s4], [sflag:$0x2] =	stream.indirect_vreg.gather [hbm4b:s2+s3], $0x80, v4, vm0, $0xb8;
	[tilespmem:$0x18400] =	vst v63  }
0x64: {  	s25 =	simm.s32 $0xCC00;
	v3 =	vperm.xlane v3, v2  }
0x65: {  	[tilespmem:s25], [sflag:$0x2] =	stream.indirect_vreg.gather [hbm4b:s5+s3], $0x80, v4, vm0, $0xb8;
	[tilespmem:$0x18400] =	vst v63  }
0x66: {  	v3 =	vadd.s32 v1, v3;
	s4 =	simm.s32 $0xD400  }
0x67: {  	[tilespmem:s4], [sflag:$0x2] =	stream.indirect_vreg.gather [hbm4b:s6+s3], $0x80, v4, vm0, $0xb8;
	[tilespmem:$0x18400] =	vst v63  }
0x68: {  	s25 =	simm.s32 $0xDC00  }
0x69: {  	[tilespmem:s25], [sflag:$0x2] =	stream.indirect_vreg.gather [hbm4b:s7+s3], $0x80, v4, vm0, $0xb8;
	[tilespmem:$0x18400] =	vst v63  }
0x6a: {  	s4 =	simm.s32 $0xE400  }
0x6b: {  	[tilespmem:s4], [sflag:$0x2] =	stream.indirect_vreg.gather [hbm4b:s2+s3], $0x80, v3, vm0, $0xb8;
	[tilespmem:$0x18400] =	vst v63  }
0x6c: {  	s25 =	simm.s32 $0xEC00  }
0x6d: {  	[tilespmem:s25], [sflag:$0x2] =	stream.indirect_vreg.gather [hbm4b:s5+s3], $0x80, v3, vm0, $0xb8;
	[tilespmem:$0x18400] =	vst v63  }
0x6e: {  	s4 =	simm.s32 $0xF400  }
0x6f: {  	[tilespmem:s4], [sflag:$0x2] =	stream.indirect_vreg.gather [hbm4b:s6+s3], $0x80, v3, vm0, $0xb8;
	[tilespmem:$0x18400] =	vst v63  }
0x70: {  	s25 =	simm.s32 $0xFC00  }
0x71: {  	[tilespmem:s25], [sflag:$0x2] =	stream.indirect_vreg.gather [hbm4b:s7+s3], $0x80, v3, vm0, $0xb8;
	[tilespmem:$0x18400] =	vst v63  }
0x72: {  	v3 =	vld [tilespmem:$0x100];
	_ =	sdelay $0x4  }
0x73: {  	v52 =	vshll.u32 v3, $0x3  }
0x74: {  	v3 =	vand.u32 $0x7, v3;
	v4 =	vand.u32 $0xFFFFFFC0, v52  }
0x75: {  	v3 =	vor.u32 v3, v4  }
0x76: {  	v4 =	vperm.xlane v3, v0;
	_ =	sdelay $0x1  }
0x77: {  	v4 =	vadd.s32 v1, v4;
	_ =	sdelay $0x3  }
0x78: {  	s1 =	simm.s32 $0x10400  }
0x79: {  	[tilespmem:s1], [sflag:$0x3] =	stream.indirect_vreg.gather [hbm4b:s2+s3], $0x80, v4, vm0, $0xb8;
	[tilespmem:$0x18400] =	vst v63  }
0x7a: {  	v3 =	vperm.xlane v3, v2  }
0x7b: {  	[tilespmem:s23], [sflag:$0x3] =	stream.indirect_vreg.gather [hbm4b:s5+s3], $0x80, v4, vm0, $0xb8;
	[tilespmem:$0x18400] =	vst v63  }
0x7c: {  	s4 =	simm.s32 $0x11400;
	v3 =	vadd.s32 v1, v3  }
0x7d: {  	[tilespmem:s4], [sflag:$0x3] =	stream.indirect_vreg.gather [hbm4b:s6+s3], $0x80, v4, vm0, $0xb8;
	[tilespmem:$0x18400] =	vst v63  }
0x7e: {  	_ = 	snop  }
0x7f: {  	[tilespmem:s9], [sflag:$0x3] =	stream.indirect_vreg.gather [hbm4b:s7+s3], $0x80, v4, vm0, $0xb8;
	[tilespmem:$0x18400] =	vst v63  }
0x80: {  	_ = 	snop  }
0x81: {  	[tilespmem:s10], [sflag:$0x3] =	stream.indirect_vreg.gather [hbm4b:s2+s3], $0x80, v3, vm0, $0xb8;
	[tilespmem:$0x18400] =	vst v63  }
0x82: {  	_ = 	snop  }
0x83: {  	[tilespmem:s11], [sflag:$0x3] =	stream.indirect_vreg.gather [hbm4b:s5+s3], $0x80, v3, vm0, $0xb8;
	[tilespmem:$0x18400] =	vst v63  }
0x84: {  	_ = 	snop  }
0x85: {  	[tilespmem:s12], [sflag:$0x3] =	stream.indirect_vreg.gather [hbm4b:s6+s3], $0x80, v3, vm0, $0xb8;
	[tilespmem:$0x18400] =	vst v63  }
0x86: {  	_ = 	snop  }
0x87: {  	[tilespmem:s13], [sflag:$0x3] =	stream.indirect_vreg.gather [hbm4b:s7+s3], $0x80, v3, vm0, $0xb8;
	[tilespmem:$0x18400] =	vst v63  }
0x88: {  	v3 =	vld [tilespmem:$0x110];
	_ =	sdelay $0x4  }
0x89: {  	v53 =	vshll.u32 v3, $0x3  }
0x8a: {  	v3 =	vand.u32 $0x7, v3;
	v4 =	vand.u32 $0xFFFFFFC0, v53  }
0x8b: {  	v3 =	vor.u32 v3, v4  }
0x8c: {  	v4 =	vperm.xlane v3, v0;
	_ =	sdelay $0x1  }
0x8d: {  	v4 =	vadd.s32 v1, v4;
	_ =	sdelay $0x4  }
0x8e: {  	[tilespmem:s14], [sflag:$0x3] =	stream.indirect_vreg.gather [hbm4b:s2+s3], $0x80, v4, vm0, $0xb8;
	[tilespmem:$0x18400] =	vst v63  }
0x8f: {  	v3 =	vperm.xlane v3, v2  }
0x90: {  	[tilespmem:s15], [sflag:$0x3] =	stream.indirect_vreg.gather [hbm4b:s5+s3], $0x80, v4, vm0, $0xb8;
	[tilespmem:$0x18400] =	vst v63  }
0x91: {  	v3 =	vadd.s32 v1, v3  }
0x92: {  	[tilespmem:s16], [sflag:$0x3] =	stream.indirect_vreg.gather [hbm4b:s6+s3], $0x80, v4, vm0, $0xb8;
	[tilespmem:$0x18400] =	vst v63  }
0x93: {  	_ = 	snop  }
0x94: {  	[tilespmem:s17], [sflag:$0x3] =	stream.indirect_vreg.gather [hbm4b:s7+s3], $0x80, v4, vm0, $0xb8;
	[tilespmem:$0x18400] =	vst v63  }
0x95: {  	_ = 	snop  }
0x96: {  	[tilespmem:s18], [sflag:$0x3] =	stream.indirect_vreg.gather [hbm4b:s2+s3], $0x80, v3, vm0, $0xb8;
	[tilespmem:$0x18400] =	vst v63  }
0x97: {  	_ = 	snop  }
0x98: {  	[tilespmem:s28], [sflag:$0x3] =	stream.indirect_vreg.gather [hbm4b:s5+s3], $0x80, v3, vm0, $0xb8;
	[tilespmem:$0x18400] =	vst v63  }
0x99: {  	_ = 	snop  }
0x9a: {  	[tilespmem:s29], [sflag:$0x3] =	stream.indirect_vreg.gather [hbm4b:s6+s3], $0x80, v3, vm0, $0xb8;
	[tilespmem:$0x18400] =	vst v63  }
0x9b: {  	_ = 	snop  }
0x9c: {  	[tilespmem:s30], [sflag:$0x3] =	stream.indirect_vreg.gather [hbm4b:s7+s3], $0x80, v3, vm0, $0xb8;
	[tilespmem:$0x18400] =	vst v63  }
0x9d: {  	_ =	swait.ge [sflag:s19], $0x8000  }
0x9e: {  	[sflag:s19] =	ssyncset.done $0x0  }
0x9f: {  	s25 =	rddreg [dreg:$0xc];
	[sflag:s19] =	ssyncadd.s32 $0xFFFF8000  }
0xa0: {  	[hbm4b:s25+s3] =	stream.linear.scatter [tilespmem:s26], [sflag:$0x4], $0x8000, $0x38;
	[tilespmem:$0x18400] =	vst v63  }
0xa1: {  	_ =	swait.ge [sflag:s20], $0x8000  }
0xa2: {  	[sflag:s20] =	ssyncset.done $0x0  }
0xa3: {  	[sflag:s20] =	ssyncadd.s32 $0xFFFF8000  }
0xa4: {  	v3 =	vld [tilespmem:$0x180];
	_ =	sdelay $0x4  }
0xa5: {  	v54 =	vshll.u32 v3, $0x3  }
0xa6: {  	v3 =	vand.u32 $0x7, v3;
	v4 =	vand.u32 $0xFFFFFFC0, v54  }
0xa7: {  	v3 =	vor.u32 v3, v4  }
0xa8: {  	v4 =	vperm.xlane v3, v0;
	_ =	sdelay $0x1  }
0xa9: {  	v4 =	vadd.s32 v1, v4;
	_ =	sdelay $0x4  }
0xaa: {  	[tilespmem:s26], [sflag:$0x1] =	stream.indirect_vreg.gather [hbm4b:s2+s3], $0x80, v4, vm0, $0xb8;
	[tilespmem:$0x18400] =	vst v63  }
0xab: {  	s25 =	simm.s32 $0xC00;
	v3 =	vperm.xlane v3, v2  }
0xac: {  	[tilespmem:s25], [sflag:$0x1] =	stream.indirect_vreg.gather [hbm4b:s5+s3], $0x80, v4, vm0, $0xb8;
	[tilespmem:$0x18400] =	vst v63  }
0xad: {  	v3 =	vadd.s32 v1, v3;
	s25 =	simm.s32 $0x1400  }
0xae: {  	[tilespmem:s25], [sflag:$0x1] =	stream.indirect_vreg.gather [hbm4b:s6+s3], $0x80, v4, vm0, $0xb8;
	[tilespmem:$0x18400] =	vst v63  }
0xaf: {  	s25 =	simm.s32 $0x1C00  }
0xb0: {  	[tilespmem:s25], [sflag:$0x1] =	stream.indirect_vreg.gather [hbm4b:s7+s3], $0x80, v4, vm0, $0xb8;
	[tilespmem:$0x18400] =	vst v63  }
0xb1: {  	s25 =	simm.s32 $0x2400  }
0xb2: {  	[tilespmem:s25], [sflag:$0x1] =	stream.indirect_vreg.gather [hbm4b:s2+s3], $0x80, v3, vm0, $0xb8;
	[tilespmem:$0x18400] =	vst v63  }
0xb3: {  	s25 =	simm.s32 $0x2C00  }
0xb4: {  	[tilespmem:s25], [sflag:$0x1] =	stream.indirect_vreg.gather [hbm4b:s5+s3], $0x80, v3, vm0, $0xb8;
	[tilespmem:$0x18400] =	vst v63  }
0xb5: {  	s25 =	simm.s32 $0x3400  }
0xb6: {  	[tilespmem:s25], [sflag:$0x1] =	stream.indirect_vreg.gather [hbm4b:s6+s3], $0x80, v3, vm0, $0xb8;
	[tilespmem:$0x18400] =	vst v63  }
0xb7: {  	s25 =	simm.s32 $0x3C00  }
0xb8: {  	[tilespmem:s25], [sflag:$0x1] =	stream.indirect_vreg.gather [hbm4b:s7+s3], $0x80, v3, vm0, $0xb8;
	[tilespmem:$0x18400] =	vst v63  }
0xb9: {  	v3 =	vld [tilespmem:$0x190];
	_ =	sdelay $0x4  }
0xba: {  	v55 =	vshll.u32 v3, $0x3  }
0xbb: {  	v3 =	vand.u32 $0x7, v3;
	v4 =	vand.u32 $0xFFFFFFC0, v55  }
0xbc: {  	v3 =	vor.u32 v3, v4  }
0xbd: {  	v4 =	vperm.xlane v3, v0;
	_ =	sdelay $0x1  }
0xbe: {  	v4 =	vadd.s32 v1, v4;
	_ =	sdelay $0x3  }
0xbf: {  	s25 =	simm.s32 $0x4400  }
0xc0: {  	[tilespmem:s25], [sflag:$0x1] =	stream.indirect_vreg.gather [hbm4b:s2+s3], $0x80, v4, vm0, $0xb8;
	[tilespmem:$0x18400] =	vst v63  }
0xc1: {  	v3 =	vperm.xlane v3, v2;
	s25 =	simm.s32 $0x4C00  }
0xc2: {  	[tilespmem:s25], [sflag:$0x1] =	stream.indirect_vreg.gather [hbm4b:s5+s3], $0x80, v4, vm0, $0xb8;
	[tilespmem:$0x18400] =	vst v63  }
0xc3: {  	v3 =	vadd.s32 v1, v3;
	s25 =	simm.s32 $0x5400  }
0xc4: {  	[tilespmem:s25], [sflag:$0x1] =	stream.indirect_vreg.gather [hbm4b:s6+s3], $0x80, v4, vm0, $0xb8;
	[tilespmem:$0x18400] =	vst v63  }
0xc5: {  	s25 =	simm.s32 $0x5C00  }
0xc6: {  	[tilespmem:s25], [sflag:$0x1] =	stream.indirect_vreg.gather [hbm4b:s7+s3], $0x80, v4, vm0, $0xb8;
	[tilespmem:$0x18400] =	vst v63  }
0xc7: {  	s25 =	simm.s32 $0x6400  }
0xc8: {  	[tilespmem:s25], [sflag:$0x1] =	stream.indirect_vreg.gather [hbm4b:s2+s3], $0x80, v3, vm0, $0xb8;
	[tilespmem:$0x18400] =	vst v63  }
0xc9: {  	s25 =	simm.s32 $0x6C00  }
0xca: {  	[tilespmem:s25], [sflag:$0x1] =	stream.indirect_vreg.gather [hbm4b:s5+s3], $0x80, v3, vm0, $0xb8;
	[tilespmem:$0x18400] =	vst v63  }
0xcb: {  	s25 =	simm.s32 $0x7400  }
0xcc: {  	[tilespmem:s25], [sflag:$0x1] =	stream.indirect_vreg.gather [hbm4b:s6+s3], $0x80, v3, vm0, $0xb8;
	[tilespmem:$0x18400] =	vst v63  }
0xcd: {  	s25 =	simm.s32 $0x7C00  }
0xce: {  	[tilespmem:s25], [sflag:$0x1] =	stream.indirect_vreg.gather [hbm4b:s7+s3], $0x80, v3, vm0, $0xb8;
	[tilespmem:$0x18400] =	vst v63  }
0xcf: {  	_ =	swait.ge [sflag:s21], $0x8000  }
0xd0: {  	[sflag:s21] =	ssyncset.done $0x0  }
0xd1: {  	s25 =	rddreg [dreg:$0x5];
	[sflag:s21] =	ssyncadd.s32 $0xFFFF8000  }
0xd2: {  	[hbm4b:s25+s3] =	stream.linear.scatter [tilespmem:s0], [sflag:$0x5], $0x8000, $0x38;
	[tilespmem:$0x18400] =	vst v63  }
0xd3: {  	_ =	swait.ge [sflag:s22], $0x8000  }
0xd4: {  	[sflag:s22] =	ssyncset.done $0x0  }
0xd5: {  	[sflag:s22] =	ssyncadd.s32 $0xFFFF8000  }
0xd6: {  	v3 =	vld [tilespmem:$0x200];
	_ =	sdelay $0x4  }
0xd7: {  	v56 =	vshll.u32 v3, $0x3  }
0xd8: {  	v3 =	vand.u32 $0x7, v3;
	v4 =	vand.u32 $0xFFFFFFC0, v56  }
0xd9: {  	v3 =	vor.u32 v3, v4  }
0xda: {  	v4 =	vperm.xlane v3, v0;
	_ =	sdelay $0x1  }
0xdb: {  	v4 =	vadd.s32 v1, v4;
	_ =	sdelay $0x4  }
0xdc: {  	[tilespmem:s0], [sflag:$0x2] =	stream.indirect_vreg.gather [hbm4b:s2+s3], $0x80, v4, vm0, $0xb8;
	[tilespmem:$0x18400] =	vst v63  }
0xdd: {  	s25 =	simm.s32 $0x8C00;
	v3 =	vperm.xlane v3, v2  }
0xde: {  	[tilespmem:s25], [sflag:$0x2] =	stream.indirect_vreg.gather [hbm4b:s5+s3], $0x80, v4, vm0, $0xb8;
	[tilespmem:$0x18400] =	vst v63  }
0xdf: {  	v3 =	vadd.s32 v1, v3;
	s25 =	simm.s32 $0x9400  }
0xe0: {  	[tilespmem:s25], [sflag:$0x2] =	stream.indirect_vreg.gather [hbm4b:s6+s3], $0x80, v4, vm0, $0xb8;
	[tilespmem:$0x18400] =	vst v63  }
0xe1: {  	s25 =	simm.s32 $0x9C00  }
0xe2: {  	[tilespmem:s25], [sflag:$0x2] =	stream.indirect_vreg.gather [hbm4b:s7+s3], $0x80, v4, vm0, $0xb8;
	[tilespmem:$0x18400] =	vst v63  }
0xe3: {  	s25 =	simm.s32 $0xA400  }
0xe4: {  	[tilespmem:s25], [sflag:$0x2] =	stream.indirect_vreg.gather [hbm4b:s2+s3], $0x80, v3, vm0, $0xb8;
	[tilespmem:$0x18400] =	vst v63  }
0xe5: {  	s25 =	simm.s32 $0xAC00  }
0xe6: {  	[tilespmem:s25], [sflag:$0x2] =	stream.indirect_vreg.gather [hbm4b:s5+s3], $0x80, v3, vm0, $0xb8;
	[tilespmem:$0x18400] =	vst v63  }
0xe7: {  	s25 =	simm.s32 $0xB400  }
0xe8: {  	[tilespmem:s25], [sflag:$0x2] =	stream.indirect_vreg.gather [hbm4b:s6+s3], $0x80, v3, vm0, $0xb8;
	[tilespmem:$0x18400] =	vst v63  }
0xe9: {  	s25 =	simm.s32 $0xBC00  }
0xea: {  	[tilespmem:s25], [sflag:$0x2] =	stream.indirect_vreg.gather [hbm4b:s7+s3], $0x80, v3, vm0, $0xb8;
	[tilespmem:$0x18400] =	vst v63  }
0xeb: {  	v3 =	vld [tilespmem:$0x210];
	_ =	sdelay $0x4  }
0xec: {  	v57 =	vshll.u32 v3, $0x3  }
0xed: {  	v3 =	vand.u32 $0x7, v3;
	v4 =	vand.u32 $0xFFFFFFC0, v57  }
0xee: {  	v3 =	vor.u32 v3, v4  }
0xef: {  	v4 =	vperm.xlane v3, v0;
	_ =	sdelay $0x1  }
0xf0: {  	v4 =	vadd.s32 v1, v4;
	_ =	sdelay $0x3  }
0xf1: {  	s25 =	simm.s32 $0xC400  }
0xf2: {  	[tilespmem:s25], [sflag:$0x2] =	stream.indirect_vreg.gather [hbm4b:s2+s3], $0x80, v4, vm0, $0xb8;
	[tilespmem:$0x18400] =	vst v63  }
0xf3: {  	v3 =	vperm.xlane v3, v2;
	s25 =	simm.s32 $0xCC00  }
0xf4: {  	[tilespmem:s25], [sflag:$0x2] =	stream.indirect_vreg.gather [hbm4b:s5+s3], $0x80, v4, vm0, $0xb8;
	[tilespmem:$0x18400] =	vst v63  }
0xf5: {  	v3 =	vadd.s32 v1, v3;
	s25 =	simm.s32 $0xD400  }
0xf6: {  	[tilespmem:s25], [sflag:$0x2] =	stream.indirect_vreg.gather [hbm4b:s6+s3], $0x80, v4, vm0, $0xb8;
	[tilespmem:$0x18400] =	vst v63  }
0xf7: {  	s25 =	simm.s32 $0xDC00  }
0xf8: {  	[tilespmem:s25], [sflag:$0x2] =	stream.indirect_vreg.gather [hbm4b:s7+s3], $0x80, v4, vm0, $0xb8;
	[tilespmem:$0x18400] =	vst v63  }
0xf9: {  	s25 =	simm.s32 $0xE400  }
0xfa: {  	[tilespmem:s25], [sflag:$0x2] =	stream.indirect_vreg.gather [hbm4b:s2+s3], $0x80, v3, vm0, $0xb8;
	[tilespmem:$0x18400] =	vst v63  }
0xfb: {  	s25 =	simm.s32 $0xEC00  }
0xfc: {  	[tilespmem:s25], [sflag:$0x2] =	stream.indirect_vreg.gather [hbm4b:s5+s3], $0x80, v3, vm0, $0xb8;
	[tilespmem:$0x18400] =	vst v63  }
0xfd: {  	s25 =	simm.s32 $0xF400  }
0xfe: {  	[tilespmem:s25], [sflag:$0x2] =	stream.indirect_vreg.gather [hbm4b:s6+s3], $0x80, v3, vm0, $0xb8;
	[tilespmem:$0x18400] =	vst v63  }
0xff: {  	s25 =	simm.s32 $0xFC00  }
0x100: {  	[tilespmem:s25], [sflag:$0x2] =	stream.indirect_vreg.gather [hbm4b:s7+s3], $0x80, v3, vm0, $0xb8;
	[tilespmem:$0x18400] =	vst v63  }
0x101: {  	_ =	swait.ge [sflag:s31], $0x8000  }
0x102: {  	[sflag:s31] =	ssyncset.done $0x0  }
0x103: {  	s25 =	rddreg [dreg:$0x6];
	[sflag:s31] =	ssyncadd.s32 $0xFFFF8000  }
0x104: {  	[hbm4b:s25+s3] =	stream.linear.scatter [tilespmem:s1], [sflag:$0x6], $0x8000, $0x38;
	[tilespmem:$0x18400] =	vst v63  }
0x105: {  	_ =	swait.ge [sflag:s24], $0x8000  }
0x106: {  	[sflag:s24] =	ssyncset.done $0x0  }
0x107: {  	[sflag:s24] =	ssyncadd.s32 $0xFFFF8000  }
0x108: {  	v3 =	vld [tilespmem:$0x280];
	_ =	sdelay $0x4  }
0x109: {  	v58 =	vshll.u32 v3, $0x3  }
0x10a: {  	v3 =	vand.u32 $0x7, v3;
	v4 =	vand.u32 $0xFFFFFFC0, v58  }
0x10b: {  	v3 =	vor.u32 v3, v4  }
0x10c: {  	v4 =	vperm.xlane v3, v0;
	_ =	sdelay $0x1  }
0x10d: {  	v4 =	vadd.s32 v1, v4;
	_ =	sdelay $0x4  }
0x10e: {  	[tilespmem:s1], [sflag:$0x3] =	stream.indirect_vreg.gather [hbm4b:s2+s3], $0x80, v4, vm0, $0xb8;
	[tilespmem:$0x18400] =	vst v63  }
0x10f: {  	v3 =	vperm.xlane v3, v2  }
0x110: {  	[tilespmem:s23], [sflag:$0x3] =	stream.indirect_vreg.gather [hbm4b:s5+s3], $0x80, v4, vm0, $0xb8;
	[tilespmem:$0x18400] =	vst v63  }
0x111: {  	v3 =	vadd.s32 v1, v3  }
0x112: {  	[tilespmem:s4], [sflag:$0x3] =	stream.indirect_vreg.gather [hbm4b:s6+s3], $0x80, v4, vm0, $0xb8;
	[tilespmem:$0x18400] =	vst v63  }
0x113: {  	_ = 	snop  }
0x114: {  	[tilespmem:s9], [sflag:$0x3] =	stream.indirect_vreg.gather [hbm4b:s7+s3], $0x80, v4, vm0, $0xb8;
	[tilespmem:$0x18400] =	vst v63  }
0x115: {  	_ = 	snop  }
0x116: {  	[tilespmem:s10], [sflag:$0x3] =	stream.indirect_vreg.gather [hbm4b:s2+s3], $0x80, v3, vm0, $0xb8;
	[tilespmem:$0x18400] =	vst v63  }
0x117: {  	_ = 	snop  }
0x118: {  	[tilespmem:s11], [sflag:$0x3] =	stream.indirect_vreg.gather [hbm4b:s5+s3], $0x80, v3, vm0, $0xb8;
	[tilespmem:$0x18400] =	vst v63  }
0x119: {  	_ = 	snop  }
0x11a: {  	[tilespmem:s12], [sflag:$0x3] =	stream.indirect_vreg.gather [hbm4b:s6+s3], $0x80, v3, vm0, $0xb8;
	[tilespmem:$0x18400] =	vst v63  }
0x11b: {  	_ = 	snop  }
0x11c: {  	[tilespmem:s13], [sflag:$0x3] =	stream.indirect_vreg.gather [hbm4b:s7+s3], $0x80, v3, vm0, $0xb8;
	[tilespmem:$0x18400] =	vst v63  }
0x11d: {  	v3 =	vld [tilespmem:$0x290];
	_ =	sdelay $0x4  }
0x11e: {  	v59 =	vshll.u32 v3, $0x3  }
0x11f: {  	v3 =	vand.u32 $0x7, v3;
	v4 =	vand.u32 $0xFFFFFFC0, v59  }
0x120: {  	v3 =	vor.u32 v3, v4  }
0x121: {  	v4 =	vperm.xlane v3, v0;
	_ =	sdelay $0x1  }
0x122: {  	v4 =	vadd.s32 v1, v4;
	_ =	sdelay $0x4  }
0x123: {  	[tilespmem:s14], [sflag:$0x3] =	stream.indirect_vreg.gather [hbm4b:s2+s3], $0x80, v4, vm0, $0xb8;
	[tilespmem:$0x18400] =	vst v63  }
0x124: {  	v3 =	vperm.xlane v3, v2  }
0x125: {  	[tilespmem:s15], [sflag:$0x3] =	stream.indirect_vreg.gather [hbm4b:s5+s3], $0x80, v4, vm0, $0xb8;
	[tilespmem:$0x18400] =	vst v63  }
0x126: {  	v3 =	vadd.s32 v1, v3  }
0x127: {  	[tilespmem:s16], [sflag:$0x3] =	stream.indirect_vreg.gather [hbm4b:s6+s3], $0x80, v4, vm0, $0xb8;
	[tilespmem:$0x18400] =	vst v63  }
0x128: {  	_ = 	snop  }
0x129: {  	[tilespmem:s17], [sflag:$0x3] =	stream.indirect_vreg.gather [hbm4b:s7+s3], $0x80, v4, vm0, $0xb8;
	[tilespmem:$0x18400] =	vst v63  }
0x12a: {  	_ = 	snop  }
0x12b: {  	[tilespmem:s18], [sflag:$0x3] =	stream.indirect_vreg.gather [hbm4b:s2+s3], $0x80, v3, vm0, $0xb8;
	[tilespmem:$0x18400] =	vst v63  }
0x12c: {  	_ = 	snop  }
0x12d: {  	[tilespmem:s28], [sflag:$0x3] =	stream.indirect_vreg.gather [hbm4b:s5+s3], $0x80, v3, vm0, $0xb8;
	[tilespmem:$0x18400] =	vst v63  }
0x12e: {  	_ = 	snop  }
0x12f: {  	[tilespmem:s29], [sflag:$0x3] =	stream.indirect_vreg.gather [hbm4b:s6+s3], $0x80, v3, vm0, $0xb8;
	[tilespmem:$0x18400] =	vst v63  }
0x130: {  	_ = 	snop  }
0x131: {  	[tilespmem:s30], [sflag:$0x3] =	stream.indirect_vreg.gather [hbm4b:s7+s3], $0x80, v3, vm0, $0xb8;
	[tilespmem:$0x18400] =	vst v63  }
0x132: {  	_ =	swait.ge [sflag:s19], $0x8000  }
0x133: {  	[sflag:s19] =	ssyncset.done $0x0  }
0x134: {  	s4 =	rddreg [dreg:$0x7];
	[sflag:s19] =	ssyncadd.s32 $0xFFFF8000  }
0x135: {  	[hbm4b:s4+s3] =	stream.linear.scatter [tilespmem:s26], [sflag:$0x4], $0x8000, $0x38;
	[tilespmem:$0x18400] =	vst v63  }
0x136: {  	_ =	swait.ge [sflag:s20], $0x8000  }
0x137: {  	[sflag:s20] =	ssyncset.done $0x0  }
0x138: {  	[sflag:s20] =	ssyncadd.s32 $0xFFFF8000  }
0x139: {  	v3 =	vld [tilespmem:$0x300];
	_ =	sdelay $0x4  }
0x13a: {  	v60 =	vshll.u32 v3, $0x3  }
0x13b: {  	v3 =	vand.u32 $0x7, v3;
	v4 =	vand.u32 $0xFFFFFFC0, v60  }
0x13c: {  	v3 =	vor.u32 v3, v4  }
0x13d: {  	v4 =	vperm.xlane v3, v0;
	_ =	sdelay $0x1  }
0x13e: {  	v4 =	vadd.s32 v1, v4;
	_ =	sdelay $0x4  }
0x13f: {  	[tilespmem:s26], [sflag:$0x1] =	stream.indirect_vreg.gather [hbm4b:s2+s3], $0x80, v4, vm0, $0xb8;
	[tilespmem:$0x18400] =	vst v63  }
0x140: {  	s25 =	simm.s32 $0xC00;
	v3 =	vperm.xlane v3, v2  }
0x141: {  	[tilespmem:s25], [sflag:$0x1] =	stream.indirect_vreg.gather [hbm4b:s5+s3], $0x80, v4, vm0, $0xb8;
	[tilespmem:$0x18400] =	vst v63  }
0x142: {  	v3 =	vadd.s32 v1, v3;
	s25 =	simm.s32 $0x1400  }
0x143: {  	[tilespmem:s25], [sflag:$0x1] =	stream.indirect_vreg.gather [hbm4b:s6+s3], $0x80, v4, vm0, $0xb8;
	[tilespmem:$0x18400] =	vst v63  }
0x144: {  	s25 =	simm.s32 $0x1C00  }
0x145: {  	[tilespmem:s25], [sflag:$0x1] =	stream.indirect_vreg.gather [hbm4b:s7+s3], $0x80, v4, vm0, $0xb8;
	[tilespmem:$0x18400] =	vst v63  }
0x146: {  	s25 =	simm.s32 $0x2400  }
0x147: {  	[tilespmem:s25], [sflag:$0x1] =	stream.indirect_vreg.gather [hbm4b:s2+s3], $0x80, v3, vm0, $0xb8;
	[tilespmem:$0x18400] =	vst v63  }
0x148: {  	s25 =	simm.s32 $0x2C00  }
0x149: {  	[tilespmem:s25], [sflag:$0x1] =	stream.indirect_vreg.gather [hbm4b:s5+s3], $0x80, v3, vm0, $0xb8;
	[tilespmem:$0x18400] =	vst v63  }
0x14a: {  	s25 =	simm.s32 $0x3400  }
0x14b: {  	[tilespmem:s25], [sflag:$0x1] =	stream.indirect_vreg.gather [hbm4b:s6+s3], $0x80, v3, vm0, $0xb8;
	[tilespmem:$0x18400] =	vst v63  }
0x14c: {  	s25 =	simm.s32 $0x3C00  }
0x14d: {  	[tilespmem:s25], [sflag:$0x1] =	stream.indirect_vreg.gather [hbm4b:s7+s3], $0x80, v3, vm0, $0xb8;
	[tilespmem:$0x18400] =	vst v63  }
0x14e: {  	v3 =	vld [tilespmem:$0x310];
	_ =	sdelay $0x4  }
0x14f: {  	v61 =	vshll.u32 v3, $0x3  }
0x150: {  	v3 =	vand.u32 $0x7, v3;
	v4 =	vand.u32 $0xFFFFFFC0, v61  }
0x151: {  	v3 =	vor.u32 v3, v4  }
0x152: {  	v4 =	vperm.xlane v3, v0;
	_ =	sdelay $0x1  }
0x153: {  	v4 =	vadd.s32 v1, v4;
	_ =	sdelay $0x3  }
0x154: {  	s25 =	simm.s32 $0x4400  }
0x155: {  	[tilespmem:s25], [sflag:$0x1] =	stream.indirect_vreg.gather [hbm4b:s2+s3], $0x80, v4, vm0, $0xb8;
	[tilespmem:$0x18400] =	vst v63  }
0x156: {  	v3 =	vperm.xlane v3, v2;
	s25 =	simm.s32 $0x4C00  }
0x157: {  	[tilespmem:s25], [sflag:$0x1] =	stream.indirect_vreg.gather [hbm4b:s5+s3], $0x80, v4, vm0, $0xb8;
	[tilespmem:$0x18400] =	vst v63  }
0x158: {  	v3 =	vadd.s32 v1, v3;
	s25 =	simm.s32 $0x5400  }
0x159: {  	[tilespmem:s25], [sflag:$0x1] =	stream.indirect_vreg.gather [hbm4b:s6+s3], $0x80, v4, vm0, $0xb8;
	[tilespmem:$0x18400] =	vst v63  }
0x15a: {  	s25 =	simm.s32 $0x5C00  }
0x15b: {  	[tilespmem:s25], [sflag:$0x1] =	stream.indirect_vreg.gather [hbm4b:s7+s3], $0x80, v4, vm0, $0xb8;
	[tilespmem:$0x18400] =	vst v63  }
0x15c: {  	s25 =	simm.s32 $0x6400  }
0x15d: {  	[tilespmem:s25], [sflag:$0x1] =	stream.indirect_vreg.gather [hbm4b:s2+s3], $0x80, v3, vm0, $0xb8;
	[tilespmem:$0x18400] =	vst v63  }
0x15e: {  	s25 =	simm.s32 $0x6C00  }
0x15f: {  	[tilespmem:s25], [sflag:$0x1] =	stream.indirect_vreg.gather [hbm4b:s5+s3], $0x80, v3, vm0, $0xb8;
	[tilespmem:$0x18400] =	vst v63  }
0x160: {  	s25 =	simm.s32 $0x7400  }
0x161: {  	[tilespmem:s25], [sflag:$0x1] =	stream.indirect_vreg.gather [hbm4b:s6+s3], $0x80, v3, vm0, $0xb8;
	[tilespmem:$0x18400] =	vst v63  }
0x162: {  	s25 =	simm.s32 $0x7C00  }
0x163: {  	[tilespmem:s25], [sflag:$0x1] =	stream.indirect_vreg.gather [hbm4b:s7+s3], $0x80, v3, vm0, $0xb8;
	[tilespmem:$0x18400] =	vst v63  }
0x164: {  	_ =	swait.ge [sflag:s21], $0x8000  }
0x165: {  	[sflag:s21] =	ssyncset.done $0x0  }
0x166: {  	s4 =	rddreg [dreg:$0x8];
	[sflag:s21] =	ssyncadd.s32 $0xFFFF8000  }
0x167: {  	[hbm4b:s4+s3] =	stream.linear.scatter [tilespmem:s0], [sflag:$0x5], $0x8000, $0x38;
	[tilespmem:$0x18400] =	vst v63  }
0x168: {  	_ =	swait.ge [sflag:s22], $0x8000  }
0x169: {  	[sflag:s22] =	ssyncset.done $0x0  }
0x16a: {  	[sflag:s22] =	ssyncadd.s32 $0xFFFF8000  }
0x16b: {  	v3 =	vld [tilespmem:$0x380];
	_ =	sdelay $0x4  }
0x16c: {  	v62 =	vshll.u32 v3, $0x3  }
0x16d: {  	v3 =	vand.u32 $0x7, v3;
	v4 =	vand.u32 $0xFFFFFFC0, v62  }
0x16e: {  	v3 =	vor.u32 v3, v4  }
0x16f: {  	v4 =	vperm.xlane v3, v0;
	_ =	sdelay $0x1  }
0x170: {  	v4 =	vadd.s32 v1, v4;
	_ =	sdelay $0x4  }
0x171: {  	[tilespmem:s0], [sflag:$0x2] =	stream.indirect_vreg.gather [hbm4b:s2+s3], $0x80, v4, vm0, $0xb8;
	[tilespmem:$0x18400] =	vst v63  }
0x172: {  	s25 =	simm.s32 $0x8C00;
	v3 =	vperm.xlane v3, v2  }
0x173: {  	[tilespmem:s25], [sflag:$0x2] =	stream.indirect_vreg.gather [hbm4b:s5+s3], $0x80, v4, vm0, $0xb8;
	[tilespmem:$0x18400] =	vst v63  }
0x174: {  	v3 =	vadd.s32 v1, v3;
	s25 =	simm.s32 $0x9400  }
0x175: {  	[tilespmem:s25], [sflag:$0x2] =	stream.indirect_vreg.gather [hbm4b:s6+s3], $0x80, v4, vm0, $0xb8;
	[tilespmem:$0x18400] =	vst v63  }
0x176: {  	s25 =	simm.s32 $0x9C00  }
0x177: {  	[tilespmem:s25], [sflag:$0x2] =	stream.indirect_vreg.gather [hbm4b:s7+s3], $0x80, v4, vm0, $0xb8;
	[tilespmem:$0x18400] =	vst v63  }
0x178: {  	s25 =	simm.s32 $0xA400  }
0x179: {  	[tilespmem:s25], [sflag:$0x2] =	stream.indirect_vreg.gather [hbm4b:s2+s3], $0x80, v3, vm0, $0xb8;
	[tilespmem:$0x18400] =	vst v63  }
0x17a: {  	s25 =	simm.s32 $0xAC00  }
0x17b: {  	[tilespmem:s25], [sflag:$0x2] =	stream.indirect_vreg.gather [hbm4b:s5+s3], $0x80, v3, vm0, $0xb8;
	[tilespmem:$0x18400] =	vst v63  }
0x17c: {  	s25 =	simm.s32 $0xB400  }
0x17d: {  	[tilespmem:s25], [sflag:$0x2] =	stream.indirect_vreg.gather [hbm4b:s6+s3], $0x80, v3, vm0, $0xb8;
	[tilespmem:$0x18400] =	vst v63  }
0x17e: {  	s25 =	simm.s32 $0xBC00  }
0x17f: {  	[tilespmem:s25], [sflag:$0x2] =	stream.indirect_vreg.gather [hbm4b:s7+s3], $0x80, v3, vm0, $0xb8;
	[tilespmem:$0x18400] =	vst v63  }
0x180: {  	v3 =	vld [tilespmem:$0x390];
	_ =	sdelay $0x4  }
0x181: {  	v63 =	vshll.u32 v3, $0x3  }
0x182: {  	v3 =	vand.u32 $0x7, v3;
	v4 =	vand.u32 $0xFFFFFFC0, v63  }
0x183: {  	v3 =	vor.u32 v3, v4  }
0x184: {  	v4 =	vperm.xlane v3, v0;
	_ =	sdelay $0x1  }
0x185: {  	v4 =	vadd.s32 v1, v4;
	_ =	sdelay $0x3  }
0x186: {  	s25 =	simm.s32 $0xC400  }
0x187: {  	[tilespmem:s25], [sflag:$0x2] =	stream.indirect_vreg.gather [hbm4b:s2+s3], $0x80, v4, vm0, $0xb8;
	[tilespmem:$0x18400] =	vst v63  }
0x188: {  	v3 =	vperm.xlane v3, v2;
	s25 =	simm.s32 $0xCC00  }
0x189: {  	[tilespmem:s25], [sflag:$0x2] =	stream.indirect_vreg.gather [hbm4b:s5+s3], $0x80, v4, vm0, $0xb8;
	[tilespmem:$0x18400] =	vst v63  }
0x18a: {  	v3 =	vadd.s32 v1, v3;
	s25 =	simm.s32 $0xD400  }
0x18b: {  	[tilespmem:s25], [sflag:$0x2] =	stream.indirect_vreg.gather [hbm4b:s6+s3], $0x80, v4, vm0, $0xb8;
	[tilespmem:$0x18400] =	vst v63  }
0x18c: {  	s25 =	simm.s32 $0xDC00  }
0x18d: {  	[tilespmem:s25], [sflag:$0x2] =	stream.indirect_vreg.gather [hbm4b:s7+s3], $0x80, v4, vm0, $0xb8;
	[tilespmem:$0x18400] =	vst v63  }
0x18e: {  	s25 =	simm.s32 $0xE400  }
0x18f: {  	[tilespmem:s25], [sflag:$0x2] =	stream.indirect_vreg.gather [hbm4b:s2+s3], $0x80, v3, vm0, $0xb8;
	[tilespmem:$0x18400] =	vst v63  }
0x190: {  	s25 =	simm.s32 $0xEC00  }
0x191: {  	[tilespmem:s25], [sflag:$0x2] =	stream.indirect_vreg.gather [hbm4b:s5+s3], $0x80, v3, vm0, $0xb8;
	[tilespmem:$0x18400] =	vst v63  }
0x192: {  	s25 =	simm.s32 $0xF400  }
0x193: {  	[tilespmem:s25], [sflag:$0x2] =	stream.indirect_vreg.gather [hbm4b:s6+s3], $0x80, v3, vm0, $0xb8;
	[tilespmem:$0x18400] =	vst v63  }
0x194: {  	s25 =	simm.s32 $0xFC00  }
0x195: {  	[tilespmem:s25], [sflag:$0x2] =	stream.indirect_vreg.gather [hbm4b:s7+s3], $0x80, v3, vm0, $0xb8;
	[tilespmem:$0x18400] =	vst v63  }
0x196: {  	_ =	swait.ge [sflag:s31], $0x8000  }
0x197: {  	[sflag:s31] =	ssyncset.done $0x0  }
0x198: {  	s4 =	rddreg [dreg:$0x9];
	[sflag:s31] =	ssyncadd.s32 $0xFFFF8000  }
0x199: {  	[hbm4b:s4+s3] =	stream.linear.scatter [tilespmem:s1], [sflag:$0x6], $0x8000, $0x38;
	[tilespmem:$0x18400] =	vst v63  }
0x19a: {  	_ =	swait.ge [sflag:s19], $0x8000  }
0x19b: {  	[sflag:s19] =	ssyncset.done $0x0  }
0x19c: {  	s1 =	rddreg [dreg:$0xa];
	[sflag:s19] =	ssyncadd.s32 $0xFFFF8000  }
0x19d: {  	[hbm4b:s1+s3] =	stream.linear.scatter [tilespmem:s26], [sflag:$0x4], $0x8000, $0x38;
	[tilespmem:$0x18400] =	vst v63  }
0x19e: {  	_ =	swait.ge [sflag:s21], $0x8000  }
0x19f: {  	[sflag:s21] =	ssyncset.done $0x0  }
0x1a0: {  	s4 =	rddreg [dreg:$0xb];
	[sflag:s21] =	ssyncadd.s32 $0xFFFF8000  }
0x1a1: {  	[hbm4b:s4+s3] =	stream.linear.scatter [tilespmem:s0], [sflag:$0x5], $0x8000, $0x38;
	[tilespmem:$0x18400] =	vst v63  }
0x1a2: {  	_ =	swait.ge [sflag:s20], $0x8000  }
0x1a3: {  	[sflag:s20] =	ssyncset.done $0x0  }
0x1a4: {  	[sflag:s20] =	ssyncadd.s32 $0xFFFF8000  }
0x1a5: {  	p0 =	sne.s32 s8, $0x1;
	_ =	swait.ge [sflag:s22], $0x8000  }
.Ltmp0:
0x1a6: {  	[sflag:s22] =	ssyncset.done $0x0;
	(pc) =	sbr.rel @p0 .LBB2_1-.Ltmp0, $4  }
0x1a7: {  	[sflag:s22] =	ssyncadd.s32 $0xFFFF8000  }
0x1a8: {  	_ =	swait.ge [sflag:s24], $0x8000  }
0x1a9: {  	[sflag:s24] =	ssyncset.done $0x0  }
0x1aa: {  	s8 =	sadd.s32 $0xFFFFFFFF, s8;
	[sflag:s24] =	ssyncadd.s32 $0xFFFF8000  }
0x1ab: {  	_ =	sfence.sel $0x180000  }
0x1ac: {  	[bflag:$0x0] =	sbarrier.arrive $0xFFFF  }
0x1ad: {  	_ =	strace $0x90000047  }
0x1ae: {  	s0 =	stileid.u32;
	[bflag:$0x2] =	sbarrier.arrive $0xFFFF  }
0x1af: {  	p0 =	sne.s32 s0, $0x0;
	s0 =	rddreg [dreg:$0x3]  }
0x1b0: {  	s0 =	sadd.s32 @!p0 $0x100000, s0  }
0x1b1: {  	[sflag:s0] =	ssyncadd.tile.s32 @!p0 $0x1;
	_ =	shalt  }
.Lfunc_end2:
_tile_overlayer_lowered:
.L_overlay_start_2:
0x1b2: {  	(tag) =	ssettag $0x2  }
0x1b3: {  	s0 =	rddreg [dreg:$0x0];
	s2 =	stileid.u32  }
0x1b4: {  	s1 =	rddreg [dreg:$0x1];
	p0 =	sne.s32 s2, $0x0  }
0x1b5: {  	s3 =	rddreg [dreg:$0x2];
	[bflag:$0x3] =	sbarrier.arrive $0xFFFF;
	s2 =	simm.s32 @!p0 $0x1C07  }
0x1b6: {  	[timem:s3], [sflag:s2] =	dma.local @!p0 [hbm:s0], s1  }
0x1b7: {  	s0 =	simm.s32 @!p0 $0x7  }
0x1b8: {  	_ =	swait.ge @!p0 [sflag:s0], s1  }
0x1b9: {  	s1 =	ssub.s32 @!p0 $0x0, s1;
	[sflag:s0] =	ssyncset.done @!p0 $0x0  }
0x1ba: {  	[sflag:s0] =	ssyncadd.s32 @!p0 s1  }
0x1bb: {  	[bflag:$0x3] =	sbarrier.arrive $0xFFFF  }
0x1bc: {  	_ =	shalt  }

</sc_bundles>
